<compile_context>
chip_gen: v7x
topology: tpu7x:2x2x1
jax: 0.10.2.dev20260603
libtpu: 0.0.44.dev20260713+nightly
codegen_flags: <defaults>
</compile_context>

<pallas_src>
import functools

import jax
import jax.numpy as jnp
from jax import lax
from jax.experimental import pallas as pl
from jax.experimental.pallas import tpu as pltpu
from jax.experimental.pallas import tpu_sc as plsc

NW = 32
NC = 2
B = 400
CH = 80
NCH = B // CH
LANES = 16
BE = 4000


def _sc_body(per_w, x_hbm, posx_hbm, posy_hbm, row_hbm, col_hbm,
             out_hbm, g_hbm,
             rowv, colv, xbuf, gbuf, posx_v, posy_v,
             sem_x, sem_wx, sem_wg):
    wid = lax.axis_index("s") * NC + lax.axis_index("c")
    pltpu.sync_copy(posx_hbm, posx_v)
    pltpu.sync_copy(posy_hbm, posy_v)
    nblocks = per_w // B
    iota = lax.iota(jnp.int32, LANES)
    csplat = [jnp.full((LANES,), c, jnp.int32) for c in range(4)]

    def block(b, carry):
        pltpu.sync_copy(row_hbm.at[wid, b], rowv)
        pltpu.sync_copy(col_hbm.at[wid, b], colv)

        @pl.when(b > 0)
        def _():
            pltpu.make_async_copy(x_hbm.at[pl.ds(0, B)], xbuf, sem_wx).wait()

        for j in range(NCH):
            pltpu.async_copy(
                x_hbm.at[colv.at[j]], xbuf.at[pl.ds(j * CH, CH)], sem_x)

        @pl.when(b > 0)
        def _():
            pltpu.make_async_copy(g_hbm.at[pl.ds(0, B)], gbuf, sem_wg).wait()

        for j in range(NCH):
            for t in range(CH // LANES):
                off = j * CH + LANES * t
                evec = iota + off
                ridx = rowv[j, pl.ds(LANES * t, LANES)]
                cidx = colv[j, pl.ds(LANES * t, LANES)]
                plsc.store_scatter(gbuf, [evec, csplat[0]],
                                   plsc.load_gather(posx_v, [ridx]))
                plsc.store_scatter(gbuf, [evec, csplat[1]],
                                   plsc.load_gather(posy_v, [ridx]))
                plsc.store_scatter(gbuf, [evec, csplat[2]],
                                   plsc.load_gather(posx_v, [cidx]))
                plsc.store_scatter(gbuf, [evec, csplat[3]],
                                   plsc.load_gather(posy_v, [cidx]))
        pltpu.make_async_copy(x_hbm.at[pl.ds(0, B)], xbuf, sem_x).wait()
        ebase = wid * per_w + b * B
        pltpu.async_copy(xbuf, out_hbm.at[pl.ds(ebase, B), pl.ds(0, 128)],
                         sem_wx)
        pltpu.async_copy(gbuf, g_hbm.at[pl.ds(ebase, B)], sem_wg)
        return carry

    lax.fori_loop(0, nblocks, block, 0)
    pltpu.make_async_copy(x_hbm.at[pl.ds(0, B)], xbuf, sem_wx).wait()
    pltpu.make_async_copy(g_hbm.at[pl.ds(0, B)], gbuf, sem_wg).wait()


def _tc_body(g_ref, w1t_ref, b1_ref, w2t_ref, b2_ref, obuf_ref, out_ref):
    g = g_ref[...]
    prx = g[:, 0:1]
    pry = g[:, 1:2]
    pcx = g[:, 2:3]
    pcy = g[:, 3:4]
    dx = pcx - prx
    dy = pcy - pry
    dist = jnp.sqrt(dx * dx + dy * dy)
    w = w1t_ref[...]
    pre = (prx * w[0:1, :] + pry * w[1:2, :]
           + pcx * w[2:3, :] + pcy * w[3:4, :]
           + dx * w[4:5, :] + dy * w[5:6, :]
           + dist * w[6:7, :]) + b1_ref[...]
    h = jnp.maximum(pre, 0.0)
    out_ref[...] = (jnp.dot(h, w2t_ref[...],
                            preferred_element_type=jnp.float32)
                    + b2_ref[...])


def kernel(x, pos, edge_index, W1, b1, W2, b2):
    n_nodes, in_f = x.shape
    e = edge_index.shape[1]
    k = e // n_nodes
    out_f = W2.shape[0]
    width = in_f + out_f
    per_w = e // NW

    row = edge_index[0].astype(jnp.int32)
    col = edge_index[1].astype(jnp.int32)
    row2 = row.reshape(NW, per_w // B, NCH, CH)
    col2 = col.reshape(NW, per_w // B, NCH, CH)
    posx = pos[:, 0].astype(jnp.float32)
    posy = pos[:, 1].astype(jnp.float32)
    w1tp = jnp.pad(W1.T.astype(jnp.float32), ((0, 1), (0, 0)))
    b1r = b1.reshape(1, -1).astype(jnp.float32)
    w2t = W2.T.astype(jnp.float32)
    b2r = b2.reshape(1, -1).astype(jnp.float32)

    mesh = plsc.VectorSubcoreMesh(core_axis_name="c", subcore_axis_name="s")
    sc_call = pl.kernel(
        functools.partial(_sc_body, per_w),
        out_type=[
            jax.ShapeDtypeStruct((e, width), jnp.float32),
            jax.ShapeDtypeStruct((e, 128), jnp.float32),
        ],
        mesh=mesh,
        compiler_params=pltpu.CompilerParams(needs_layout_passes=False),
        scratch_types=[
            pltpu.VMEM((NCH, CH), jnp.int32),
            pltpu.VMEM((NCH, CH), jnp.int32),
            pltpu.VMEM((B, in_f), jnp.float32),
            pltpu.VMEM((B, 128), jnp.float32),
            pltpu.VMEM((n_nodes,), jnp.float32),
            pltpu.VMEM((n_nodes,), jnp.float32),
            pltpu.SemaphoreType.DMA,
            pltpu.SemaphoreType.DMA,
            pltpu.SemaphoreType.DMA,
        ],
    )
    outbuf, gfeat = sc_call(x, posx, posy, row2, col2)

    out = pl.pallas_call(
        _tc_body,
        grid=(e // BE,),
        in_specs=[
            pl.BlockSpec((BE, 128), lambda i: (i, 0)),
            pl.BlockSpec((8, 64), lambda i: (0, 0)),
            pl.BlockSpec((1, 64), lambda i: (0, 0)),
            pl.BlockSpec((64, 128), lambda i: (0, 0)),
            pl.BlockSpec((1, 128), lambda i: (0, 0)),
            pl.BlockSpec(memory_space=pltpu.MemorySpace.HBM),
        ],
        out_specs=pl.BlockSpec((BE, in_f), lambda i: (i, 1)),
        out_shape=jax.ShapeDtypeStruct((e, width), jnp.float32),
        input_output_aliases={5: 0},
    )(gfeat, w1tp, b1r, w2t, b2r, outbuf)

    return out.reshape(n_nodes, k, width)

# --- scband reference (transcript-rebuilt; emitter-appended) ---
"""Pipeline reference for scband-locse-74938589380919 (READ-ONLY COPY).

The authoritative reference and input builder live on the scoring server;
editing this copy changes nothing except your own understanding.
"""

import jax, jax.numpy as jnp
import numpy as np

N = 10000
K = 32
E = N * K
IN_F = 128
OUT_F = 128

def setup_inputs(seed: int = 0) -> dict:
    key = jax.random.key(seed)
    k1, k2, k3, k4, k5, k6, k7 = jax.random.split(key, 7)
    x = jax.random.normal(k1, (N, IN_F), dtype=jnp.float32)
    pos = jax.random.normal(k2, (N, 2), dtype=jnp.float32)
    edge_index = jax.random.randint(k3, (2, E), 0, N, dtype=jnp.int64)
    # MLP params: Linear(7, out//2) -> ReLU -> Linear(out//2, out)
    h = OUT_F // 2
    W1 = jax.random.normal(k4, (h, 7), dtype=jnp.float32) * (1.0 / np.sqrt(7))
    b1 = jnp.zeros((h,), dtype=jnp.float32)
    W2 = jax.random.normal(k5, (OUT_F, h), dtype=jnp.float32) * (1.0 / np.sqrt(h))
    b2 = jnp.zeros((OUT_F,), dtype=jnp.float32)
    return {"x": x, "pos": pos, "edge_index": edge_index, "W1": W1, "b1": b1, "W2": W2, "b2": b2}

def reference(x, pos, edge_index, W1, b1, W2, b2):
    row = edge_index[0]
    col = edge_index[1]
    center_pos = jnp.take(pos, row, axis=0)
    neighbor_pos = jnp.take(pos, col, axis=0)
    relative_pos = neighbor_pos - center_pos
    distance = jnp.linalg.norm(relative_pos, axis=1, keepdims=True)
    concatenated = jnp.concatenate([center_pos, neighbor_pos, relative_pos, distance], axis=1)
    h1 = jnp.maximum(concatenated @ W1.T + b1, 0.0)
    rk = h1 @ W2.T + b2
    x_col = jnp.take(x, col, axis=0)
    augfeat = jnp.concatenate([x_col, rk], axis=1)
    fkhat = augfeat.reshape(x.shape[0], K, -1)
    return fkhat

if __name__ == "__main__":
    import jax
    _d = setup_inputs()
    print(jax.jit(kernel)(*tuple(_d.values())))

</pallas_src>

<mosaic_0001>
#map = affine_map<(d0, d1) -> (0, 0)>
#map1 = affine_map<(d0, d1) -> (0)>
#map2 = affine_map<(d0, d1) -> (0, 0, 0, 0)>
module attributes {stable_mosaic.version = 14 : i64} {
  func.func @_sc_body(%arg0: i32, %arg1: i32, %arg2: memref<10000x128xf32, #tpu.memory_space<hbm>>, %arg3: memref<10000xf32, #tpu.memory_space<hbm>>, %arg4: memref<10000xf32, #tpu.memory_space<hbm>>, %arg5: memref<32x25x5x80xi32, #tpu.memory_space<hbm>>, %arg6: memref<32x25x5x80xi32, #tpu.memory_space<hbm>>, %arg7: memref<320000x256xf32, #tpu.memory_space<hbm>>, %arg8: memref<320000x128xf32, #tpu.memory_space<hbm>>, %arg9: memref<5x80xi32, #tpu.memory_space<vmem>>, %arg10: memref<5x80xi32, #tpu.memory_space<vmem>>, %arg11: memref<400x128xf32, #tpu.memory_space<vmem>>, %arg12: memref<400x128xf32, #tpu.memory_space<vmem>>, %arg13: memref<10000xf32, #tpu.memory_space<vmem>>, %arg14: memref<10000xf32, #tpu.memory_space<vmem>>, %arg15: memref<!tpu.dma_semaphore, #tpu.memory_space<semaphore_mem>>, %arg16: memref<!tpu.dma_semaphore, #tpu.memory_space<semaphore_mem>>, %arg17: memref<!tpu.dma_semaphore, #tpu.memory_space<semaphore_mem>>) attributes {dimension_semantics = [#tpu.dimension_semantics<core_parallel>, #tpu.dimension_semantics<subcore_parallel>], iteration_bounds = array<i64: 2, 16>, scalar_prefetch = 0 : i64, scratch_operands = 9 : i64, tpu.core_type = #tpu.core_type<sc_vector_subcore>, window_params = [{transform_indices = #map}, {transform_indices = #map1}, {transform_indices = #map1}, {transform_indices = #map2}, {transform_indices = #map2}, {transform_indices = #map}, {transform_indices = #map}]} {
    %mul3A = arith.constant 2 : i32
    %mul3A_0 = arith.muli %arg1, %mul3A : i32
    %add3A = arith.addi %mul3A_0, %arg0 : i32
    "tpu.region"() ({
      %run_scoped3A = tpu.sem_alloc : memref<!tpu.dma_semaphore, #tpu.memory_space<semaphore_mem>>
      tpu.enqueue_dma source(%arg3 : memref<10000xf32, #tpu.memory_space<hbm>>) target(%arg13 : memref<10000xf32, #tpu.memory_space<vmem>>) target_semaphore(%run_scoped3A : memref<!tpu.dma_semaphore, #tpu.memory_space<semaphore_mem>>)
      tpu.wait_dma2 semaphore(%run_scoped3A : memref<!tpu.dma_semaphore, #tpu.memory_space<semaphore_mem>>) src(%arg3 : memref<10000xf32, #tpu.memory_space<hbm>>) dst(%arg13 : memref<10000xf32, #tpu.memory_space<vmem>>)
      tpu.yield
    }) : () -> ()
    "tpu.region"() ({
      %run_scoped3A = tpu.sem_alloc : memref<!tpu.dma_semaphore, #tpu.memory_space<semaphore_mem>>
      tpu.enqueue_dma source(%arg4 : memref<10000xf32, #tpu.memory_space<hbm>>) target(%arg14 : memref<10000xf32, #tpu.memory_space<vmem>>) target_semaphore(%run_scoped3A : memref<!tpu.dma_semaphore, #tpu.memory_space<semaphore_mem>>)
      tpu.wait_dma2 semaphore(%run_scoped3A : memref<!tpu.dma_semaphore, #tpu.memory_space<semaphore_mem>>) src(%arg4 : memref<10000xf32, #tpu.memory_space<hbm>>) dst(%arg14 : memref<10000xf32, #tpu.memory_space<vmem>>)
      tpu.yield
    }) : () -> ()
    %iota3A = tpu.iota {dimensions = array<i32: 0>} : vector<16xi32>
    %broadcast_in_dim3A = arith.constant 0 : i32
    %broadcast_in_dim3A_1 = vector.broadcast %broadcast_in_dim3A : i32 to vector<16xi32>
    %broadcast_in_dim3A_2 = arith.constant 1 : i32
    %broadcast_in_dim3A_3 = vector.broadcast %broadcast_in_dim3A_2 : i32 to vector<16xi32>
    %broadcast_in_dim3A_4 = arith.constant 2 : i32
    %broadcast_in_dim3A_5 = vector.broadcast %broadcast_in_dim3A_4 : i32 to vector<16xi32>
    %broadcast_in_dim3A_6 = arith.constant 3 : i32
    %broadcast_in_dim3A_7 = vector.broadcast %broadcast_in_dim3A_6 : i32 to vector<16xi32>
    %scan3A = arith.constant 0 : i32
    %scan3A_8 = arith.constant 0 : i32
    %scan3A_9 = arith.constant 25 : i32
    %scan3A_10 = arith.addi %scan3A_8, %scan3A_9 : i32
    %scan3A_11 = arith.constant 1 : i32
    scf.for %scan3A_24 = %scan3A_8 to %scan3A_10 step %scan3A_11  : i32 {
      "tpu.region"() ({
        %run_scoped3A = tpu.sem_alloc : memref<!tpu.dma_semaphore, #tpu.memory_space<semaphore_mem>>
        %dma_start3A_473 = arith.constant 0 : i32
        %dma_start3A_474 = arith.constant 0 : i32
        %dma_start3A_475 = tpu.memref_slice %arg5[%add3A, %scan3A_24, %dma_start3A_473, %dma_start3A_474] : memref<32x25x5x80xi32, #tpu.memory_space<hbm>> -> memref<1x1x5x80xi32, #tpu.memory_space<hbm>>
        %dma_start3A_476 = tpu.memref_squeeze %dma_start3A_475 : memref<1x1x5x80xi32, #tpu.memory_space<hbm>> -> memref<5x80xi32, #tpu.memory_space<hbm>>
        %dma_start3A_477 = arith.constant 0 : i32
        %dma_start3A_478 = arith.constant 0 : i32
        %dma_start3A_479 = tpu.memref_slice %arg5[%add3A, %scan3A_24, %dma_start3A_477, %dma_start3A_478] : memref<32x25x5x80xi32, #tpu.memory_space<hbm>> -> memref<1x1x5x80xi32, #tpu.memory_space<hbm>>
        %dma_start3A_480 = tpu.memref_squeeze %dma_start3A_479 : memref<1x1x5x80xi32, #tpu.memory_space<hbm>> -> memref<5x80xi32, #tpu.memory_space<hbm>>
        tpu.enqueue_dma source(%dma_start3A_480 : memref<5x80xi32, #tpu.memory_space<hbm>>) target(%arg9 : memref<5x80xi32, #tpu.memory_space<vmem>>) target_semaphore(%run_scoped3A : memref<!tpu.dma_semaphore, #tpu.memory_space<semaphore_mem>>)
        %dma_wait3A_481 = arith.constant 0 : i32
        %dma_wait3A_482 = arith.constant 0 : i32
        %dma_wait3A_483 = tpu.memref_slice %arg5[%add3A, %scan3A_24, %dma_wait3A_481, %dma_wait3A_482] : memref<32x25x5x80xi32, #tpu.memory_space<hbm>> -> memref<1x1x5x80xi32, #tpu.memory_space<hbm>>
        %dma_wait3A_484 = tpu.memref_squeeze %dma_wait3A_483 : memref<1x1x5x80xi32, #tpu.memory_space<hbm>> -> memref<5x80xi32, #tpu.memory_space<hbm>>
        %dma_wait3A_485 = arith.constant 0 : i32
        %dma_wait3A_486 = arith.constant 0 : i32
        %dma_wait3A_487 = tpu.memref_slice %arg5[%add3A, %scan3A_24, %dma_wait3A_485, %dma_wait3A_486] : memref<32x25x5x80xi32, #tpu.memory_space<hbm>> -> memref<1x1x5x80xi32, #tpu.memory_space<hbm>>
        %dma_wait3A_488 = tpu.memref_squeeze %dma_wait3A_487 : memref<1x1x5x80xi32, #tpu.memory_space<hbm>> -> memref<5x80xi32, #tpu.memory_space<hbm>>
        tpu.wait_dma2 semaphore(%run_scoped3A : memref<!tpu.dma_semaphore, #tpu.memory_space<semaphore_mem>>) src(%dma_wait3A_488 : memref<5x80xi32, #tpu.memory_space<hbm>>) dst(%arg9 : memref<5x80xi32, #tpu.memory_space<vmem>>)
        tpu.yield
      }) : () -> ()
      "tpu.region"() ({
        %run_scoped3A = tpu.sem_alloc : memref<!tpu.dma_semaphore, #tpu.memory_space<semaphore_mem>>
        %dma_start3A_473 = arith.constant 0 : i32
        %dma_start3A_474 = arith.constant 0 : i32
        %dma_start3A_475 = tpu.memref_slice %arg6[%add3A, %scan3A_24, %dma_start3A_473, %dma_start3A_474] : memref<32x25x5x80xi32, #tpu.memory_space<hbm>> -> memref<1x1x5x80xi32, #tpu.memory_space<hbm>>
        %dma_start3A_476 = tpu.memref_squeeze %dma_start3A_475 : memref<1x1x5x80xi32, #tpu.memory_space<hbm>> -> memref<5x80xi32, #tpu.memory_space<hbm>>
        %dma_start3A_477 = arith.constant 0 : i32
        %dma_start3A_478 = arith.constant 0 : i32
        %dma_start3A_479 = tpu.memref_slice %arg6[%add3A, %scan3A_24, %dma_start3A_477, %dma_start3A_478] : memref<32x25x5x80xi32, #tpu.memory_space<hbm>> -> memref<1x1x5x80xi32, #tpu.memory_space<hbm>>
        %dma_start3A_480 = tpu.memref_squeeze %dma_start3A_479 : memref<1x1x5x80xi32, #tpu.memory_space<hbm>> -> memref<5x80xi32, #tpu.memory_space<hbm>>
        tpu.enqueue_dma source(%dma_start3A_480 : memref<5x80xi32, #tpu.memory_space<hbm>>) target(%arg10 : memref<5x80xi32, #tpu.memory_space<vmem>>) target_semaphore(%run_scoped3A : memref<!tpu.dma_semaphore, #tpu.memory_space<semaphore_mem>>)
        %dma_wait3A_481 = arith.constant 0 : i32
        %dma_wait3A_482 = arith.constant 0 : i32
        %dma_wait3A_483 = tpu.memref_slice %arg6[%add3A, %scan3A_24, %dma_wait3A_481, %dma_wait3A_482] : memref<32x25x5x80xi32, #tpu.memory_space<hbm>> -> memref<1x1x5x80xi32, #tpu.memory_space<hbm>>
        %dma_wait3A_484 = tpu.memref_squeeze %dma_wait3A_483 : memref<1x1x5x80xi32, #tpu.memory_space<hbm>> -> memref<5x80xi32, #tpu.memory_space<hbm>>
        %dma_wait3A_485 = arith.constant 0 : i32
        %dma_wait3A_486 = arith.constant 0 : i32
        %dma_wait3A_487 = tpu.memref_slice %arg6[%add3A, %scan3A_24, %dma_wait3A_485, %dma_wait3A_486] : memref<32x25x5x80xi32, #tpu.memory_space<hbm>> -> memref<1x1x5x80xi32, #tpu.memory_space<hbm>>
        %dma_wait3A_488 = tpu.memref_squeeze %dma_wait3A_487 : memref<1x1x5x80xi32, #tpu.memory_space<hbm>> -> memref<5x80xi32, #tpu.memory_space<hbm>>
        tpu.wait_dma2 semaphore(%run_scoped3A : memref<!tpu.dma_semaphore, #tpu.memory_space<semaphore_mem>>) src(%dma_wait3A_488 : memref<5x80xi32, #tpu.memory_space<hbm>>) dst(%arg10 : memref<5x80xi32, #tpu.memory_space<vmem>>)
        tpu.yield
      }) : () -> ()
      %gt3A = arith.constant 0 : i32
      %gt3A_25 = arith.cmpi sgt, %scan3A_24, %gt3A : i32
      %convert_element_type3A = arith.extui %gt3A_25 : i1 to i32
      %cond3A = arith.constant 0 : i32
      %cond3A_26 = arith.cmpi ne, %convert_element_type3A, %cond3A : i32
      scf.if %cond3A_26 {
        %dma_wait3A_473 = arith.constant 0 : i32
        %dma_wait3A_474 = arith.constant 0 : i32
        %dma_wait3A_475 = tpu.memref_slice %arg2[%dma_wait3A_473, %dma_wait3A_474] : memref<10000x128xf32, #tpu.memory_space<hbm>> -> memref<400x128xf32, #tpu.memory_space<hbm>>
        %dma_wait3A_476 = arith.constant 0 : i32
        %dma_wait3A_477 = arith.constant 0 : i32
        %dma_wait3A_478 = tpu.memref_slice %arg2[%dma_wait3A_476, %dma_wait3A_477] : memref<10000x128xf32, #tpu.memory_space<hbm>> -> memref<400x128xf32, #tpu.memory_space<hbm>>
        tpu.wait_dma2 semaphore(%arg16 : memref<!tpu.dma_semaphore, #tpu.memory_space<semaphore_mem>>) src(%dma_wait3A_478 : memref<400x128xf32, #tpu.memory_space<hbm>>) dst(%arg11 : memref<400x128xf32, #tpu.memory_space<vmem>>)
      } else {
      }
      %dma_start3A = arith.constant 0 : i32
      %dma_start3A_27 = arith.constant 0 : i32
      %dma_start3A_28 = arith.constant 0 : i32
      %dma_start3A_29 = tpu.memref_slice %arg11[%dma_start3A_27, %dma_start3A_28] : memref<400x128xf32, #tpu.memory_space<vmem>> -> memref<80x128xf32, #tpu.memory_space<vmem>>
      %dma_start3A_30 = arith.constant 0 : i32
      %dma_start3A_31 = tpu.memref_slice %arg10[%dma_start3A, %dma_start3A_30] : memref<5x80xi32, #tpu.memory_space<vmem>> -> memref<1x80xi32, #tpu.memory_space<vmem>>
      %dma_start3A_32 = tpu.memref_squeeze %dma_start3A_31 : memref<1x80xi32, #tpu.memory_space<vmem>> -> memref<80xi32, #tpu.memory_space<vmem>>
      %dma_start3A_33 = arith.constant 0 : i32
      %dma_start3A_34 = arith.constant 0 : i32
      %dma_start3A_35 = tpu.memref_slice %arg2[%dma_start3A_33, %dma_start3A_34] : memref<10000x128xf32, #tpu.memory_space<hbm>> -> memref<10000x128xf32, #tpu.memory_space<hbm>>
      tpu.enqueue_indirect_dma source(%dma_start3A_35 : memref<10000x128xf32, #tpu.memory_space<hbm>>) target(%dma_start3A_29 : memref<80x128xf32, #tpu.memory_space<vmem>>) offsets(%dma_start3A_32 : memref<80xi32, #tpu.memory_space<vmem>>) semaphore(%arg15 : memref<!tpu.dma_semaphore, #tpu.memory_space<semaphore_mem>>)
      %dma_start3A_36 = arith.constant 1 : i32
      %dma_start3A_37 = arith.constant 80 : i32
      %dma_start3A_38 = arith.constant 0 : i32
      %dma_start3A_39 = tpu.memref_slice %arg11[%dma_start3A_37, %dma_start3A_38] : memref<400x128xf32, #tpu.memory_space<vmem>> -> memref<80x128xf32, #tpu.memory_space<vmem>>
      %dma_start3A_40 = arith.constant 0 : i32
      %dma_start3A_41 = tpu.memref_slice %arg10[%dma_start3A_36, %dma_start3A_40] : memref<5x80xi32, #tpu.memory_space<vmem>> -> memref<1x80xi32, #tpu.memory_space<vmem>>
      %dma_start3A_42 = tpu.memref_squeeze %dma_start3A_41 : memref<1x80xi32, #tpu.memory_space<vmem>> -> memref<80xi32, #tpu.memory_space<vmem>>
      %dma_start3A_43 = arith.constant 0 : i32
      %dma_start3A_44 = arith.constant 0 : i32
      %dma_start3A_45 = tpu.memref_slice %arg2[%dma_start3A_43, %dma_start3A_44] : memref<10000x128xf32, #tpu.memory_space<hbm>> -> memref<10000x128xf32, #tpu.memory_space<hbm>>
      tpu.enqueue_indirect_dma source(%dma_start3A_45 : memref<10000x128xf32, #tpu.memory_space<hbm>>) target(%dma_start3A_39 : memref<80x128xf32, #tpu.memory_space<vmem>>) offsets(%dma_start3A_42 : memref<80xi32, #tpu.memory_space<vmem>>) semaphore(%arg15 : memref<!tpu.dma_semaphore, #tpu.memory_space<semaphore_mem>>)
      %dma_start3A_46 = arith.constant 2 : i32
      %dma_start3A_47 = arith.constant 160 : i32
      %dma_start3A_48 = arith.constant 0 : i32
      %dma_start3A_49 = tpu.memref_slice %arg11[%dma_start3A_47, %dma_start3A_48] : memref<400x128xf32, #tpu.memory_space<vmem>> -> memref<80x128xf32, #tpu.memory_space<vmem>>
      %dma_start3A_50 = arith.constant 0 : i32
      %dma_start3A_51 = tpu.memref_slice %arg10[%dma_start3A_46, %dma_start3A_50] : memref<5x80xi32, #tpu.memory_space<vmem>> -> memref<1x80xi32, #tpu.memory_space<vmem>>
      %dma_start3A_52 = tpu.memref_squeeze %dma_start3A_51 : memref<1x80xi32, #tpu.memory_space<vmem>> -> memref<80xi32, #tpu.memory_space<vmem>>
      %dma_start3A_53 = arith.constant 0 : i32
      %dma_start3A_54 = arith.constant 0 : i32
      %dma_start3A_55 = tpu.memref_slice %arg2[%dma_start3A_53, %dma_start3A_54] : memref<10000x128xf32, #tpu.memory_space<hbm>> -> memref<10000x128xf32, #tpu.memory_space<hbm>>
      tpu.enqueue_indirect_dma source(%dma_start3A_55 : memref<10000x128xf32, #tpu.memory_space<hbm>>) target(%dma_start3A_49 : memref<80x128xf32, #tpu.memory_space<vmem>>) offsets(%dma_start3A_52 : memref<80xi32, #tpu.memory_space<vmem>>) semaphore(%arg15 : memref<!tpu.dma_semaphore, #tpu.memory_space<semaphore_mem>>)
      %dma_start3A_56 = arith.constant 3 : i32
      %dma_start3A_57 = arith.constant 240 : i32
      %dma_start3A_58 = arith.constant 0 : i32
      %dma_start3A_59 = tpu.memref_slice %arg11[%dma_start3A_57, %dma_start3A_58] : memref<400x128xf32, #tpu.memory_space<vmem>> -> memref<80x128xf32, #tpu.memory_space<vmem>>
      %dma_start3A_60 = arith.constant 0 : i32
      %dma_start3A_61 = tpu.memref_slice %arg10[%dma_start3A_56, %dma_start3A_60] : memref<5x80xi32, #tpu.memory_space<vmem>> -> memref<1x80xi32, #tpu.memory_space<vmem>>
      %dma_start3A_62 = tpu.memref_squeeze %dma_start3A_61 : memref<1x80xi32, #tpu.memory_space<vmem>> -> memref<80xi32, #tpu.memory_space<vmem>>
      %dma_start3A_63 = arith.constant 0 : i32
      %dma_start3A_64 = arith.constant 0 : i32
      %dma_start3A_65 = tpu.memref_slice %arg2[%dma_start3A_63, %dma_start3A_64] : memref<10000x128xf32, #tpu.memory_space<hbm>> -> memref<10000x128xf32, #tpu.memory_space<hbm>>
      tpu.enqueue_indirect_dma source(%dma_start3A_65 : memref<10000x128xf32, #tpu.memory_space<hbm>>) target(%dma_start3A_59 : memref<80x128xf32, #tpu.memory_space<vmem>>) offsets(%dma_start3A_62 : memref<80xi32, #tpu.memory_space<vmem>>) semaphore(%arg15 : memref<!tpu.dma_semaphore, #tpu.memory_space<semaphore_mem>>)
      %dma_start3A_66 = arith.constant 4 : i32
      %dma_start3A_67 = arith.constant 320 : i32
      %dma_start3A_68 = arith.constant 0 : i32
      %dma_start3A_69 = tpu.memref_slice %arg11[%dma_start3A_67, %dma_start3A_68] : memref<400x128xf32, #tpu.memory_space<vmem>> -> memref<80x128xf32, #tpu.memory_space<vmem>>
      %dma_start3A_70 = arith.constant 0 : i32
      %dma_start3A_71 = tpu.memref_slice %arg10[%dma_start3A_66, %dma_start3A_70] : memref<5x80xi32, #tpu.memory_space<vmem>> -> memref<1x80xi32, #tpu.memory_space<vmem>>
      %dma_start3A_72 = tpu.memref_squeeze %dma_start3A_71 : memref<1x80xi32, #tpu.memory_space<vmem>> -> memref<80xi32, #tpu.memory_space<vmem>>
      %dma_start3A_73 = arith.constant 0 : i32
      %dma_start3A_74 = arith.constant 0 : i32
      %dma_start3A_75 = tpu.memref_slice %arg2[%dma_start3A_73, %dma_start3A_74] : memref<10000x128xf32, #tpu.memory_space<hbm>> -> memref<10000x128xf32, #tpu.memory_space<hbm>>
      tpu.enqueue_indirect_dma source(%dma_start3A_75 : memref<10000x128xf32, #tpu.memory_space<hbm>>) target(%dma_start3A_69 : memref<80x128xf32, #tpu.memory_space<vmem>>) offsets(%dma_start3A_72 : memref<80xi32, #tpu.memory_space<vmem>>) semaphore(%arg15 : memref<!tpu.dma_semaphore, #tpu.memory_space<semaphore_mem>>)
      %gt3A_76 = arith.constant 0 : i32
      %gt3A_77 = arith.cmpi sgt, %scan3A_24, %gt3A_76 : i32
      %convert_element_type3A_78 = arith.extui %gt3A_77 : i1 to i32
      %cond3A_79 = arith.constant 0 : i32
      %cond3A_80 = arith.cmpi ne, %convert_element_type3A_78, %cond3A_79 : i32
      scf.if %cond3A_80 {
        %dma_wait3A_473 = arith.constant 0 : i32
        %dma_wait3A_474 = arith.constant 0 : i32
        %dma_wait3A_475 = tpu.memref_slice %arg8[%dma_wait3A_473, %dma_wait3A_474] : memref<320000x128xf32, #tpu.memory_space<hbm>> -> memref<400x128xf32, #tpu.memory_space<hbm>>
        %dma_wait3A_476 = arith.constant 0 : i32
        %dma_wait3A_477 = arith.constant 0 : i32
        %dma_wait3A_478 = tpu.memref_slice %arg8[%dma_wait3A_476, %dma_wait3A_477] : memref<320000x128xf32, #tpu.memory_space<hbm>> -> memref<400x128xf32, #tpu.memory_space<hbm>>
        tpu.wait_dma2 semaphore(%arg17 : memref<!tpu.dma_semaphore, #tpu.memory_space<semaphore_mem>>) src(%dma_wait3A_478 : memref<400x128xf32, #tpu.memory_space<hbm>>) dst(%arg12 : memref<400x128xf32, #tpu.memory_space<vmem>>)
      } else {
      }
      %add3A_81 = arith.constant 0 : i32
      %add3A_82 = vector.broadcast %add3A_81 : i32 to vector<16xi32>
      %add3A_83 = arith.addi %iota3A, %add3A_82 : vector<16xi32>
      %get3A = arith.constant 0 : i32
      %get3A_84 = arith.index_cast %get3A : i32 to index
      %get3A_85 = arith.constant 0 : index
      %get3A_86 = tpu.vector_load %arg9[%get3A_84, %get3A_85] {strides = array<i32>} : memref<5x80xi32, #tpu.memory_space<vmem>>, vector<16xi32>,
      %get3A_87 = arith.constant 0 : i32
      %get3A_88 = arith.index_cast %get3A_87 : i32 to index
      %get3A_89 = arith.constant 0 : index
      %get3A_90 = tpu.vector_load %arg10[%get3A_88, %get3A_89] {strides = array<i32>} : memref<5x80xi32, #tpu.memory_space<vmem>>, vector<16xi32>,
      %gather3A = tpu.vector_load_idx %arg13[%get3A_86] : memref<10000xf32, #tpu.memory_space<vmem>>[vector<16xi32>], vector<16xf32>,
      tpu.vector_store_idx %arg12[%add3A_83, %broadcast_in_dim3A_1], %gather3A : memref<400x128xf32, #tpu.memory_space<vmem>>[vector<16xi32>, vector<16xi32>], vector<16xf32>,
      %gather3A_91 = tpu.vector_load_idx %arg14[%get3A_86] : memref<10000xf32, #tpu.memory_space<vmem>>[vector<16xi32>], vector<16xf32>,
      tpu.vector_store_idx %arg12[%add3A_83, %broadcast_in_dim3A_3], %gather3A_91 : memref<400x128xf32, #tpu.memory_space<vmem>>[vector<16xi32>, vector<16xi32>], vector<16xf32>,
      %gather3A_92 = tpu.vector_load_idx %arg13[%get3A_90] : memref<10000xf32, #tpu.memory_space<vmem>>[vector<16xi32>], vector<16xf32>,
      tpu.vector_store_idx %arg12[%add3A_83, %broadcast_in_dim3A_5], %gather3A_92 : memref<400x128xf32, #tpu.memory_space<vmem>>[vector<16xi32>, vector<16xi32>], vector<16xf32>,
      %gather3A_93 = tpu.vector_load_idx %arg14[%get3A_90] : memref<10000xf32, #tpu.memory_space<vmem>>[vector<16xi32>], vector<16xf32>,
      tpu.vector_store_idx %arg12[%add3A_83, %broadcast_in_dim3A_7], %gather3A_93 : memref<400x128xf32, #tpu.memory_space<vmem>>[vector<16xi32>, vector<16xi32>], vector<16xf32>,
      %add3A_94 = arith.constant 16 : i32
      %add3A_95 = vector.broadcast %add3A_94 : i32 to vector<16xi32>
      %add3A_96 = arith.addi %iota3A, %add3A_95 : vector<16xi32>
      %get3A_97 = arith.constant 0 : i32
      %get3A_98 = arith.index_cast %get3A_97 : i32 to index
      %get3A_99 = arith.constant 16 : index
      %get3A_100 = tpu.vector_load %arg9[%get3A_98, %get3A_99] {strides = array<i32>} : memref<5x80xi32, #tpu.memory_space<vmem>>, vector<16xi32>,
      %get3A_101 = arith.constant 0 : i32
      %get3A_102 = arith.index_cast %get3A_101 : i32 to index
      %get3A_103 = arith.constant 16 : index
      %get3A_104 = tpu.vector_load %arg10[%get3A_102, %get3A_103] {strides = array<i32>} : memref<5x80xi32, #tpu.memory_space<vmem>>, vector<16xi32>,
      %gather3A_105 = tpu.vector_load_idx %arg13[%get3A_100] : memref<10000xf32, #tpu.memory_space<vmem>>[vector<16xi32>], vector<16xf32>,
      tpu.vector_store_idx %arg12[%add3A_96, %broadcast_in_dim3A_1], %gather3A_105 : memref<400x128xf32, #tpu.memory_space<vmem>>[vector<16xi32>, vector<16xi32>], vector<16xf32>,
      %gather3A_106 = tpu.vector_load_idx %arg14[%get3A_100] : memref<10000xf32, #tpu.memory_space<vmem>>[vector<16xi32>], vector<16xf32>,
      tpu.vector_store_idx %arg12[%add3A_96, %broadcast_in_dim3A_3], %gather3A_106 : memref<400x128xf32, #tpu.memory_space<vmem>>[vector<16xi32>, vector<16xi32>], vector<16xf32>,
      %gather3A_107 = tpu.vector_load_idx %arg13[%get3A_104] : memref<10000xf32, #tpu.memory_space<vmem>>[vector<16xi32>], vector<16xf32>,
      tpu.vector_store_idx %arg12[%add3A_96, %broadcast_in_dim3A_5], %gather3A_107 : memref<400x128xf32, #tpu.memory_space<vmem>>[vector<16xi32>, vector<16xi32>], vector<16xf32>,
      %gather3A_108 = tpu.vector_load_idx %arg14[%get3A_104] : memref<10000xf32, #tpu.memory_space<vmem>>[vector<16xi32>], vector<16xf32>,
      tpu.vector_store_idx %arg12[%add3A_96, %broadcast_in_dim3A_7], %gather3A_108 : memref<400x128xf32, #tpu.memory_space<vmem>>[vector<16xi32>, vector<16xi32>], vector<16xf32>,
      %add3A_109 = arith.constant 32 : i32
      %add3A_110 = vector.broadcast %add3A_109 : i32 to vector<16xi32>
      %add3A_111 = arith.addi %iota3A, %add3A_110 : vector<16xi32>
      %get3A_112 = arith.constant 0 : i32
      %get3A_113 = arith.index_cast %get3A_112 : i32 to index
      %get3A_114 = arith.constant 32 : index
      %get3A_115 = tpu.vector_load %arg9[%get3A_113, %get3A_114] {strides = array<i32>} : memref<5x80xi32, #tpu.memory_space<vmem>>, vector<16xi32>,
      %get3A_116 = arith.constant 0 : i32
      %get3A_117 = arith.index_cast %get3A_116 : i32 to index
      %get3A_118 = arith.constant 32 : index
      %get3A_119 = tpu.vector_load %arg10[%get3A_117, %get3A_118] {strides = array<i32>} : memref<5x80xi32, #tpu.memory_space<vmem>>, vector<16xi32>,
      %gather3A_120 = tpu.vector_load_idx %arg13[%get3A_115] : memref<10000xf32, #tpu.memory_space<vmem>>[vector<16xi32>], vector<16xf32>,
      tpu.vector_store_idx %arg12[%add3A_111, %broadcast_in_dim3A_1], %gather3A_120 : memref<400x128xf32, #tpu.memory_space<vmem>>[vector<16xi32>, vector<16xi32>], vector<16xf32>,
      %gather3A_121 = tpu.vector_load_idx %arg14[%get3A_115] : memref<10000xf32, #tpu.memory_space<vmem>>[vector<16xi32>], vector<16xf32>,
      tpu.vector_store_idx %arg12[%add3A_111, %broadcast_in_dim3A_3], %gather3A_121 : memref<400x128xf32, #tpu.memory_space<vmem>>[vector<16xi32>, vector<16xi32>], vector<16xf32>,
      %gather3A_122 = tpu.vector_load_idx %arg13[%get3A_119] : memref<10000xf32, #tpu.memory_space<vmem>>[vector<16xi32>], vector<16xf32>,
      tpu.vector_store_idx %arg12[%add3A_111, %broadcast_in_dim3A_5], %gather3A_122 : memref<400x128xf32, #tpu.memory_space<vmem>>[vector<16xi32>, vector<16xi32>], vector<16xf32>,
      %gather3A_123 = tpu.vector_load_idx %arg14[%get3A_119] : memref<10000xf32, #tpu.memory_space<vmem>>[vector<16xi32>], vector<16xf32>,
      tpu.vector_store_idx %arg12[%add3A_111, %broadcast_in_dim3A_7], %gather3A_123 : memref<400x128xf32, #tpu.memory_space<vmem>>[vector<16xi32>, vector<16xi32>], vector<16xf32>,
      %add3A_124 = arith.constant 48 : i32
      %add3A_125 = vector.broadcast %add3A_124 : i32 to vector<16xi32>
      %add3A_126 = arith.addi %iota3A, %add3A_125 : vector<16xi32>
      %get3A_127 = arith.constant 0 : i32
      %get3A_128 = arith.index_cast %get3A_127 : i32 to index
      %get3A_129 = arith.constant 48 : index
      %get3A_130 = tpu.vector_load %arg9[%get3A_128, %get3A_129] {strides = array<i32>} : memref<5x80xi32, #tpu.memory_space<vmem>>, vector<16xi32>,
      %get3A_131 = arith.constant 0 : i32
      %get3A_132 = arith.index_cast %get3A_131 : i32 to index
      %get3A_133 = arith.constant 48 : index
      %get3A_134 = tpu.vector_load %arg10[%get3A_132, %get3A_133] {strides = array<i32>} : memref<5x80xi32, #tpu.memory_space<vmem>>, vector<16xi32>,
      %gather3A_135 = tpu.vector_load_idx %arg13[%get3A_130] : memref<10000xf32, #tpu.memory_space<vmem>>[vector<16xi32>], vector<16xf32>,
      tpu.vector_store_idx %arg12[%add3A_126, %broadcast_in_dim3A_1], %gather3A_135 : memref<400x128xf32, #tpu.memory_space<vmem>>[vector<16xi32>, vector<16xi32>], vector<16xf32>,
      %gather3A_136 = tpu.vector_load_idx %arg14[%get3A_130] : memref<10000xf32, #tpu.memory_space<vmem>>[vector<16xi32>], vector<16xf32>,
      tpu.vector_store_idx %arg12[%add3A_126, %broadcast_in_dim3A_3], %gather3A_136 : memref<400x128xf32, #tpu.memory_space<vmem>>[vector<16xi32>, vector<16xi32>], vector<16xf32>,
      %gather3A_137 = tpu.vector_load_idx %arg13[%get3A_134] : memref<10000xf32, #tpu.memory_space<vmem>>[vector<16xi32>], vector<16xf32>,
      tpu.vector_store_idx %arg12[%add3A_126, %broadcast_in_dim3A_5], %gather3A_137 : memref<400x128xf32, #tpu.memory_space<vmem>>[vector<16xi32>, vector<16xi32>], vector<16xf32>,
      %gather3A_138 = tpu.vector_load_idx %arg14[%get3A_134] : memref<10000xf32, #tpu.memory_space<vmem>>[vector<16xi32>], vector<16xf32>,
      tpu.vector_store_idx %arg12[%add3A_126, %broadcast_in_dim3A_7], %gather3A_138 : memref<400x128xf32, #tpu.memory_space<vmem>>[vector<16xi32>, vector<16xi32>], vector<16xf32>,
      %add3A_139 = arith.constant 64 : i32
      %add3A_140 = vector.broadcast %add3A_139 : i32 to vector<16xi32>
      %add3A_141 = arith.addi %iota3A, %add3A_140 : vector<16xi32>
      %get3A_142 = arith.constant 0 : i32
      %get3A_143 = arith.index_cast %get3A_142 : i32 to index
      %get3A_144 = arith.constant 64 : index
      %get3A_145 = tpu.vector_load %arg9[%get3A_143, %get3A_144] {strides = array<i32>} : memref<5x80xi32, #tpu.memory_space<vmem>>, vector<16xi32>,
      %get3A_146 = arith.constant 0 : i32
      %get3A_147 = arith.index_cast %get3A_146 : i32 to index
      %get3A_148 = arith.constant 64 : index
      %get3A_149 = tpu.vector_load %arg10[%get3A_147, %get3A_148] {strides = array<i32>} : memref<5x80xi32, #tpu.memory_space<vmem>>, vector<16xi32>,
      %gather3A_150 = tpu.vector_load_idx %arg13[%get3A_145] : memref<10000xf32, #tpu.memory_space<vmem>>[vector<16xi32>], vector<16xf32>,
      tpu.vector_store_idx %arg12[%add3A_141, %broadcast_in_dim3A_1], %gather3A_150 : memref<400x128xf32, #tpu.memory_space<vmem>>[vector<16xi32>, vector<16xi32>], vector<16xf32>,
      %gather3A_151 = tpu.vector_load_idx %arg14[%get3A_145] : memref<10000xf32, #tpu.memory_space<vmem>>[vector<16xi32>], vector<16xf32>,
      tpu.vector_store_idx %arg12[%add3A_141, %broadcast_in_dim3A_3], %gather3A_151 : memref<400x128xf32, #tpu.memory_space<vmem>>[vector<16xi32>, vector<16xi32>], vector<16xf32>,
      %gather3A_152 = tpu.vector_load_idx %arg13[%get3A_149] : memref<10000xf32, #tpu.memory_space<vmem>>[vector<16xi32>], vector<16xf32>,
      tpu.vector_store_idx %arg12[%add3A_141, %broadcast_in_dim3A_5], %gather3A_152 : memref<400x128xf32, #tpu.memory_space<vmem>>[vector<16xi32>, vector<16xi32>], vector<16xf32>,
      %gather3A_153 = tpu.vector_load_idx %arg14[%get3A_149] : memref<10000xf32, #tpu.memory_space<vmem>>[vector<16xi32>], vector<16xf32>,
      tpu.vector_store_idx %arg12[%add3A_141, %broadcast_in_dim3A_7], %gather3A_153 : memref<400x128xf32, #tpu.memory_space<vmem>>[vector<16xi32>, vector<16xi32>], vector<16xf32>,
      %add3A_154 = arith.constant 80 : i32
      %add3A_155 = vector.broadcast %add3A_154 : i32 to vector<16xi32>
      %add3A_156 = arith.addi %iota3A, %add3A_155 : vector<16xi32>
      %get3A_157 = arith.constant 1 : i32
      %get3A_158 = arith.index_cast %get3A_157 : i32 to index
      %get3A_159 = arith.constant 0 : index
      %get3A_160 = tpu.vector_load %arg9[%get3A_158, %get3A_159] {strides = array<i32>} : memref<5x80xi32, #tpu.memory_space<vmem>>, vector<16xi32>,
      %get3A_161 = arith.constant 1 : i32
      %get3A_162 = arith.index_cast %get3A_161 : i32 to index
      %get3A_163 = arith.constant 0 : index
      %get3A_164 = tpu.vector_load %arg10[%get3A_162, %get3A_163] {strides = array<i32>} : memref<5x80xi32, #tpu.memory_space<vmem>>, vector<16xi32>,
      %gather3A_165 = tpu.vector_load_idx %arg13[%get3A_160] : memref<10000xf32, #tpu.memory_space<vmem>>[vector<16xi32>], vector<16xf32>,
      tpu.vector_store_idx %arg12[%add3A_156, %broadcast_in_dim3A_1], %gather3A_165 : memref<400x128xf32, #tpu.memory_space<vmem>>[vector<16xi32>, vector<16xi32>], vector<16xf32>,
      %gather3A_166 = tpu.vector_load_idx %arg14[%get3A_160] : memref<10000xf32, #tpu.memory_space<vmem>>[vector<16xi32>], vector<16xf32>,
      tpu.vector_store_idx %arg12[%add3A_156, %broadcast_in_dim3A_3], %gather3A_166 : memref<400x128xf32, #tpu.memory_space<vmem>>[vector<16xi32>, vector<16xi32>], vector<16xf32>,
      %gather3A_167 = tpu.vector_load_idx %arg13[%get3A_164] : memref<10000xf32, #tpu.memory_space<vmem>>[vector<16xi32>], vector<16xf32>,
      tpu.vector_store_idx %arg12[%add3A_156, %broadcast_in_dim3A_5], %gather3A_167 : memref<400x128xf32, #tpu.memory_space<vmem>>[vector<16xi32>, vector<16xi32>], vector<16xf32>,
      %gather3A_168 = tpu.vector_load_idx %arg14[%get3A_164] : memref<10000xf32, #tpu.memory_space<vmem>>[vector<16xi32>], vector<16xf32>,
      tpu.vector_store_idx %arg12[%add3A_156, %broadcast_in_dim3A_7], %gather3A_168 : memref<400x128xf32, #tpu.memory_space<vmem>>[vector<16xi32>, vector<16xi32>], vector<16xf32>,
      %add3A_169 = arith.constant 96 : i32
      %add3A_170 = vector.broadcast %add3A_169 : i32 to vector<16xi32>
      %add3A_171 = arith.addi %iota3A, %add3A_170 : vector<16xi32>
      %get3A_172 = arith.constant 1 : i32
      %get3A_173 = arith.index_cast %get3A_172 : i32 to index
      %get3A_174 = arith.constant 16 : index
      %get3A_175 = tpu.vector_load %arg9[%get3A_173, %get3A_174] {strides = array<i32>} : memref<5x80xi32, #tpu.memory_space<vmem>>, vector<16xi32>,
      %get3A_176 = arith.constant 1 : i32
      %get3A_177 = arith.index_cast %get3A_176 : i32 to index
      %get3A_178 = arith.constant 16 : index
      %get3A_179 = tpu.vector_load %arg10[%get3A_177, %get3A_178] {strides = array<i32>} : memref<5x80xi32, #tpu.memory_space<vmem>>, vector<16xi32>,
      %gather3A_180 = tpu.vector_load_idx %arg13[%get3A_175] : memref<10000xf32, #tpu.memory_space<vmem>>[vector<16xi32>], vector<16xf32>,
      tpu.vector_store_idx %arg12[%add3A_171, %broadcast_in_dim3A_1], %gather3A_180 : memref<400x128xf32, #tpu.memory_space<vmem>>[vector<16xi32>, vector<16xi32>], vector<16xf32>,
      %gather3A_181 = tpu.vector_load_idx %arg14[%get3A_175] : memref<10000xf32, #tpu.memory_space<vmem>>[vector<16xi32>], vector<16xf32>,
      tpu.vector_store_idx %arg12[%add3A_171, %broadcast_in_dim3A_3], %gather3A_181 : memref<400x128xf32, #tpu.memory_space<vmem>>[vector<16xi32>, vector<16xi32>], vector<16xf32>,
      %gather3A_182 = tpu.vector_load_idx %arg13[%get3A_179] : memref<10000xf32, #tpu.memory_space<vmem>>[vector<16xi32>], vector<16xf32>,
      tpu.vector_store_idx %arg12[%add3A_171, %broadcast_in_dim3A_5], %gather3A_182 : memref<400x128xf32, #tpu.memory_space<vmem>>[vector<16xi32>, vector<16xi32>], vector<16xf32>,
      %gather3A_183 = tpu.vector_load_idx %arg14[%get3A_179] : memref<10000xf32, #tpu.memory_space<vmem>>[vector<16xi32>], vector<16xf32>,
      tpu.vector_store_idx %arg12[%add3A_171, %broadcast_in_dim3A_7], %gather3A_183 : memref<400x128xf32, #tpu.memory_space<vmem>>[vector<16xi32>, vector<16xi32>], vector<16xf32>,
      %add3A_184 = arith.constant 112 : i32
      %add3A_185 = vector.broadcast %add3A_184 : i32 to vector<16xi32>
      %add3A_186 = arith.addi %iota3A, %add3A_185 : vector<16xi32>
      %get3A_187 = arith.constant 1 : i32
      %get3A_188 = arith.index_cast %get3A_187 : i32 to index
      %get3A_189 = arith.constant 32 : index
      %get3A_190 = tpu.vector_load %arg9[%get3A_188, %get3A_189] {strides = array<i32>} : memref<5x80xi32, #tpu.memory_space<vmem>>, vector<16xi32>,
      %get3A_191 = arith.constant 1 : i32
      %get3A_192 = arith.index_cast %get3A_191 : i32 to index
      %get3A_193 = arith.constant 32 : index
      %get3A_194 = tpu.vector_load %arg10[%get3A_192, %get3A_193] {strides = array<i32>} : memref<5x80xi32, #tpu.memory_space<vmem>>, vector<16xi32>,
      %gather3A_195 = tpu.vector_load_idx %arg13[%get3A_190] : memref<10000xf32, #tpu.memory_space<vmem>>[vector<16xi32>], vector<16xf32>,
      tpu.vector_store_idx %arg12[%add3A_186, %broadcast_in_dim3A_1], %gather3A_195 : memref<400x128xf32, #tpu.memory_space<vmem>>[vector<16xi32>, vector<16xi32>], vector<16xf32>,
      %gather3A_196 = tpu.vector_load_idx %arg14[%get3A_190] : memref<10000xf32, #tpu.memory_space<vmem>>[vector<16xi32>], vector<16xf32>,
      tpu.vector_store_idx %arg12[%add3A_186, %broadcast_in_dim3A_3], %gather3A_196 : memref<400x128xf32, #tpu.memory_space<vmem>>[vector<16xi32>, vector<16xi32>], vector<16xf32>,
      %gather3A_197 = tpu.vector_load_idx %arg13[%get3A_194] : memref<10000xf32, #tpu.memory_space<vmem>>[vector<16xi32>], vector<16xf32>,
      tpu.vector_store_idx %arg12[%add3A_186, %broadcast_in_dim3A_5], %gather3A_197 : memref<400x128xf32, #tpu.memory_space<vmem>>[vector<16xi32>, vector<16xi32>], vector<16xf32>,
      %gather3A_198 = tpu.vector_load_idx %arg14[%get3A_194] : memref<10000xf32, #tpu.memory_space<vmem>>[vector<16xi32>], vector<16xf32>,
      tpu.vector_store_idx %arg12[%add3A_186, %broadcast_in_dim3A_7], %gather3A_198 : memref<400x128xf32, #tpu.memory_space<vmem>>[vector<16xi32>, vector<16xi32>], vector<16xf32>,
      %add3A_199 = arith.constant 128 : i32
      %add3A_200 = vector.broadcast %add3A_199 : i32 to vector<16xi32>
      %add3A_201 = arith.addi %iota3A, %add3A_200 : vector<16xi32>
      %get3A_202 = arith.constant 1 : i32
      %get3A_203 = arith.index_cast %get3A_202 : i32 to index
      %get3A_204 = arith.constant 48 : index
      %get3A_205 = tpu.vector_load %arg9[%get3A_203, %get3A_204] {strides = array<i32>} : memref<5x80xi32, #tpu.memory_space<vmem>>, vector<16xi32>,
      %get3A_206 = arith.constant 1 : i32
      %get3A_207 = arith.index_cast %get3A_206 : i32 to index
      %get3A_208 = arith.constant 48 : index
      %get3A_209 = tpu.vector_load %arg10[%get3A_207, %get3A_208] {strides = array<i32>} : memref<5x80xi32, #tpu.memory_space<vmem>>, vector<16xi32>,
      %gather3A_210 = tpu.vector_load_idx %arg13[%get3A_205] : memref<10000xf32, #tpu.memory_space<vmem>>[vector<16xi32>], vector<16xf32>,
      tpu.vector_store_idx %arg12[%add3A_201, %broadcast_in_dim3A_1], %gather3A_210 : memref<400x128xf32, #tpu.memory_space<vmem>>[vector<16xi32>, vector<16xi32>], vector<16xf32>,
      %gather3A_211 = tpu.vector_load_idx %arg14[%get3A_205] : memref<10000xf32, #tpu.memory_space<vmem>>[vector<16xi32>], vector<16xf32>,
      tpu.vector_store_idx %arg12[%add3A_201, %broadcast_in_dim3A_3], %gather3A_211 : memref<400x128xf32, #tpu.memory_space<vmem>>[vector<16xi32>, vector<16xi32>], vector<16xf32>,
      %gather3A_212 = tpu.vector_load_idx %arg13[%get3A_209] : memref<10000xf32, #tpu.memory_space<vmem>>[vector<16xi32>], vector<16xf32>,
      tpu.vector_store_idx %arg12[%add3A_201, %broadcast_in_dim3A_5], %gather3A_212 : memref<400x128xf32, #tpu.memory_space<vmem>>[vector<16xi32>, vector<16xi32>], vector<16xf32>,
      %gather3A_213 = tpu.vector_load_idx %arg14[%get3A_209] : memref<10000xf32, #tpu.memory_space<vmem>>[vector<16xi32>], vector<16xf32>,
      tpu.vector_store_idx %arg12[%add3A_201, %broadcast_in_dim3A_7], %gather3A_213 : memref<400x128xf32, #tpu.memory_space<vmem>>[vector<16xi32>, vector<16xi32>], vector<16xf32>,
      %add3A_214 = arith.constant 144 : i32
      %add3A_215 = vector.broadcast %add3A_214 : i32 to vector<16xi32>
      %add3A_216 = arith.addi %iota3A, %add3A_215 : vector<16xi32>
      %get3A_217 = arith.constant 1 : i32
      %get3A_218 = arith.index_cast %get3A_217 : i32 to index
      %get3A_219 = arith.constant 64 : index
      %get3A_220 = tpu.vector_load %arg9[%get3A_218, %get3A_219] {strides = array<i32>} : memref<5x80xi32, #tpu.memory_space<vmem>>, vector<16xi32>,
      %get3A_221 = arith.constant 1 : i32
      %get3A_222 = arith.index_cast %get3A_221 : i32 to index
      %get3A_223 = arith.constant 64 : index
      %get3A_224 = tpu.vector_load %arg10[%get3A_222, %get3A_223] {strides = array<i32>} : memref<5x80xi32, #tpu.memory_space<vmem>>, vector<16xi32>,
      %gather3A_225 = tpu.vector_load_idx %arg13[%get3A_220] : memref<10000xf32, #tpu.memory_space<vmem>>[vector<16xi32>], vector<16xf32>,
      tpu.vector_store_idx %arg12[%add3A_216, %broadcast_in_dim3A_1], %gather3A_225 : memref<400x128xf32, #tpu.memory_space<vmem>>[vector<16xi32>, vector<16xi32>], vector<16xf32>,
      %gather3A_226 = tpu.vector_load_idx %arg14[%get3A_220] : memref<10000xf32, #tpu.memory_space<vmem>>[vector<16xi32>], vector<16xf32>,
      tpu.vector_store_idx %arg12[%add3A_216, %broadcast_in_dim3A_3], %gather3A_226 : memref<400x128xf32, #tpu.memory_space<vmem>>[vector<16xi32>, vector<16xi32>], vector<16xf32>,
      %gather3A_227 = tpu.vector_load_idx %arg13[%get3A_224] : memref<10000xf32, #tpu.memory_space<vmem>>[vector<16xi32>], vector<16xf32>,
      tpu.vector_store_idx %arg12[%add3A_216, %broadcast_in_dim3A_5], %gather3A_227 : memref<400x128xf32, #tpu.memory_space<vmem>>[vector<16xi32>, vector<16xi32>], vector<16xf32>,
      %gather3A_228 = tpu.vector_load_idx %arg14[%get3A_224] : memref<10000xf32, #tpu.memory_space<vmem>>[vector<16xi32>], vector<16xf32>,
      tpu.vector_store_idx %arg12[%add3A_216, %broadcast_in_dim3A_7], %gather3A_228 : memref<400x128xf32, #tpu.memory_space<vmem>>[vector<16xi32>, vector<16xi32>], vector<16xf32>,
      %add3A_229 = arith.constant 160 : i32
      %add3A_230 = vector.broadcast %add3A_229 : i32 to vector<16xi32>
      %add3A_231 = arith.addi %iota3A, %add3A_230 : vector<16xi32>
      %get3A_232 = arith.constant 2 : i32
      %get3A_233 = arith.index_cast %get3A_232 : i32 to index
      %get3A_234 = arith.constant 0 : index
      %get3A_235 = tpu.vector_load %arg9[%get3A_233, %get3A_234] {strides = array<i32>} : memref<5x80xi32, #tpu.memory_space<vmem>>, vector<16xi32>,
      %get3A_236 = arith.constant 2 : i32
      %get3A_237 = arith.index_cast %get3A_236 : i32 to index
      %get3A_238 = arith.constant 0 : index
      %get3A_239 = tpu.vector_load %arg10[%get3A_237, %get3A_238] {strides = array<i32>} : memref<5x80xi32, #tpu.memory_space<vmem>>, vector<16xi32>,
      %gather3A_240 = tpu.vector_load_idx %arg13[%get3A_235] : memref<10000xf32, #tpu.memory_space<vmem>>[vector<16xi32>], vector<16xf32>,
      tpu.vector_store_idx %arg12[%add3A_231, %broadcast_in_dim3A_1], %gather3A_240 : memref<400x128xf32, #tpu.memory_space<vmem>>[vector<16xi32>, vector<16xi32>], vector<16xf32>,
      %gather3A_241 = tpu.vector_load_idx %arg14[%get3A_235] : memref<10000xf32, #tpu.memory_space<vmem>>[vector<16xi32>], vector<16xf32>,
      tpu.vector_store_idx %arg12[%add3A_231, %broadcast_in_dim3A_3], %gather3A_241 : memref<400x128xf32, #tpu.memory_space<vmem>>[vector<16xi32>, vector<16xi32>], vector<16xf32>,
      %gather3A_242 = tpu.vector_load_idx %arg13[%get3A_239] : memref<10000xf32, #tpu.memory_space<vmem>>[vector<16xi32>], vector<16xf32>,
      tpu.vector_store_idx %arg12[%add3A_231, %broadcast_in_dim3A_5], %gather3A_242 : memref<400x128xf32, #tpu.memory_space<vmem>>[vector<16xi32>, vector<16xi32>], vector<16xf32>,
      %gather3A_243 = tpu.vector_load_idx %arg14[%get3A_239] : memref<10000xf32, #tpu.memory_space<vmem>>[vector<16xi32>], vector<16xf32>,
      tpu.vector_store_idx %arg12[%add3A_231, %broadcast_in_dim3A_7], %gather3A_243 : memref<400x128xf32, #tpu.memory_space<vmem>>[vector<16xi32>, vector<16xi32>], vector<16xf32>,
      %add3A_244 = arith.constant 176 : i32
      %add3A_245 = vector.broadcast %add3A_244 : i32 to vector<16xi32>
      %add3A_246 = arith.addi %iota3A, %add3A_245 : vector<16xi32>
      %get3A_247 = arith.constant 2 : i32
      %get3A_248 = arith.index_cast %get3A_247 : i32 to index
      %get3A_249 = arith.constant 16 : index
      %get3A_250 = tpu.vector_load %arg9[%get3A_248, %get3A_249] {strides = array<i32>} : memref<5x80xi32, #tpu.memory_space<vmem>>, vector<16xi32>,
      %get3A_251 = arith.constant 2 : i32
      %get3A_252 = arith.index_cast %get3A_251 : i32 to index
      %get3A_253 = arith.constant 16 : index
      %get3A_254 = tpu.vector_load %arg10[%get3A_252, %get3A_253] {strides = array<i32>} : memref<5x80xi32, #tpu.memory_space<vmem>>, vector<16xi32>,
      %gather3A_255 = tpu.vector_load_idx %arg13[%get3A_250] : memref<10000xf32, #tpu.memory_space<vmem>>[vector<16xi32>], vector<16xf32>,
      tpu.vector_store_idx %arg12[%add3A_246, %broadcast_in_dim3A_1], %gather3A_255 : memref<400x128xf32, #tpu.memory_space<vmem>>[vector<16xi32>, vector<16xi32>], vector<16xf32>,
      %gather3A_256 = tpu.vector_load_idx %arg14[%get3A_250] : memref<10000xf32, #tpu.memory_space<vmem>>[vector<16xi32>], vector<16xf32>,
      tpu.vector_store_idx %arg12[%add3A_246, %broadcast_in_dim3A_3], %gather3A_256 : memref<400x128xf32, #tpu.memory_space<vmem>>[vector<16xi32>, vector<16xi32>], vector<16xf32>,
      %gather3A_257 = tpu.vector_load_idx %arg13[%get3A_254] : memref<10000xf32, #tpu.memory_space<vmem>>[vector<16xi32>], vector<16xf32>,
      tpu.vector_store_idx %arg12[%add3A_246, %broadcast_in_dim3A_5], %gather3A_257 : memref<400x128xf32, #tpu.memory_space<vmem>>[vector<16xi32>, vector<16xi32>], vector<16xf32>,
      %gather3A_258 = tpu.vector_load_idx %arg14[%get3A_254] : memref<10000xf32, #tpu.memory_space<vmem>>[vector<16xi32>], vector<16xf32>,
      tpu.vector_store_idx %arg12[%add3A_246, %broadcast_in_dim3A_7], %gather3A_258 : memref<400x128xf32, #tpu.memory_space<vmem>>[vector<16xi32>, vector<16xi32>], vector<16xf32>,
      %add3A_259 = arith.constant 192 : i32
      %add3A_260 = vector.broadcast %add3A_259 : i32 to vector<16xi32>
      %add3A_261 = arith.addi %iota3A, %add3A_260 : vector<16xi32>
      %get3A_262 = arith.constant 2 : i32
      %get3A_263 = arith.index_cast %get3A_262 : i32 to index
      %get3A_264 = arith.constant 32 : index
      %get3A_265 = tpu.vector_load %arg9[%get3A_263, %get3A_264] {strides = array<i32>} : memref<5x80xi32, #tpu.memory_space<vmem>>, vector<16xi32>,
      %get3A_266 = arith.constant 2 : i32
      %get3A_267 = arith.index_cast %get3A_266 : i32 to index
      %get3A_268 = arith.constant 32 : index
      %get3A_269 = tpu.vector_load %arg10[%get3A_267, %get3A_268] {strides = array<i32>} : memref<5x80xi32, #tpu.memory_space<vmem>>, vector<16xi32>,
      %gather3A_270 = tpu.vector_load_idx %arg13[%get3A_265] : memref<10000xf32, #tpu.memory_space<vmem>>[vector<16xi32>], vector<16xf32>,
      tpu.vector_store_idx %arg12[%add3A_261, %broadcast_in_dim3A_1], %gather3A_270 : memref<400x128xf32, #tpu.memory_space<vmem>>[vector<16xi32>, vector<16xi32>], vector<16xf32>,
      %gather3A_271 = tpu.vector_load_idx %arg14[%get3A_265] : memref<10000xf32, #tpu.memory_space<vmem>>[vector<16xi32>], vector<16xf32>,
      tpu.vector_store_idx %arg12[%add3A_261, %broadcast_in_dim3A_3], %gather3A_271 : memref<400x128xf32, #tpu.memory_space<vmem>>[vector<16xi32>, vector<16xi32>], vector<16xf32>,
      %gather3A_272 = tpu.vector_load_idx %arg13[%get3A_269] : memref<10000xf32, #tpu.memory_space<vmem>>[vector<16xi32>], vector<16xf32>,
      tpu.vector_store_idx %arg12[%add3A_261, %broadcast_in_dim3A_5], %gather3A_272 : memref<400x128xf32, #tpu.memory_space<vmem>>[vector<16xi32>, vector<16xi32>], vector<16xf32>,
      %gather3A_273 = tpu.vector_load_idx %arg14[%get3A_269] : memref<10000xf32, #tpu.memory_space<vmem>>[vector<16xi32>], vector<16xf32>,
      tpu.vector_store_idx %arg12[%add3A_261, %broadcast_in_dim3A_7], %gather3A_273 : memref<400x128xf32, #tpu.memory_space<vmem>>[vector<16xi32>, vector<16xi32>], vector<16xf32>,
      %add3A_274 = arith.constant 208 : i32
      %add3A_275 = vector.broadcast %add3A_274 : i32 to vector<16xi32>
      %add3A_276 = arith.addi %iota3A, %add3A_275 : vector<16xi32>
      %get3A_277 = arith.constant 2 : i32
      %get3A_278 = arith.index_cast %get3A_277 : i32 to index
      %get3A_279 = arith.constant 48 : index
      %get3A_280 = tpu.vector_load %arg9[%get3A_278, %get3A_279] {strides = array<i32>} : memref<5x80xi32, #tpu.memory_space<vmem>>, vector<16xi32>,
      %get3A_281 = arith.constant 2 : i32
      %get3A_282 = arith.index_cast %get3A_281 : i32 to index
      %get3A_283 = arith.constant 48 : index
      %get3A_284 = tpu.vector_load %arg10[%get3A_282, %get3A_283] {strides = array<i32>} : memref<5x80xi32, #tpu.memory_space<vmem>>, vector<16xi32>,
      %gather3A_285 = tpu.vector_load_idx %arg13[%get3A_280] : memref<10000xf32, #tpu.memory_space<vmem>>[vector<16xi32>], vector<16xf32>,
      tpu.vector_store_idx %arg12[%add3A_276, %broadcast_in_dim3A_1], %gather3A_285 : memref<400x128xf32, #tpu.memory_space<vmem>>[vector<16xi32>, vector<16xi32>], vector<16xf32>,
      %gather3A_286 = tpu.vector_load_idx %arg14[%get3A_280] : memref<10000xf32, #tpu.memory_space<vmem>>[vector<16xi32>], vector<16xf32>,
      tpu.vector_store_idx %arg12[%add3A_276, %broadcast_in_dim3A_3], %gather3A_286 : memref<400x128xf32, #tpu.memory_space<vmem>>[vector<16xi32>, vector<16xi32>], vector<16xf32>,
      %gather3A_287 = tpu.vector_load_idx %arg13[%get3A_284] : memref<10000xf32, #tpu.memory_space<vmem>>[vector<16xi32>], vector<16xf32>,
      tpu.vector_store_idx %arg12[%add3A_276, %broadcast_in_dim3A_5], %gather3A_287 : memref<400x128xf32, #tpu.memory_space<vmem>>[vector<16xi32>, vector<16xi32>], vector<16xf32>,
      %gather3A_288 = tpu.vector_load_idx %arg14[%get3A_284] : memref<10000xf32, #tpu.memory_space<vmem>>[vector<16xi32>], vector<16xf32>,
      tpu.vector_store_idx %arg12[%add3A_276, %broadcast_in_dim3A_7], %gather3A_288 : memref<400x128xf32, #tpu.memory_space<vmem>>[vector<16xi32>, vector<16xi32>], vector<16xf32>,
      %add3A_289 = arith.constant 224 : i32
      %add3A_290 = vector.broadcast %add3A_289 : i32 to vector<16xi32>
      %add3A_291 = arith.addi %iota3A, %add3A_290 : vector<16xi32>
      %get3A_292 = arith.constant 2 : i32
      %get3A_293 = arith.index_cast %get3A_292 : i32 to index
      %get3A_294 = arith.constant 64 : index
      %get3A_295 = tpu.vector_load %arg9[%get3A_293, %get3A_294] {strides = array<i32>} : memref<5x80xi32, #tpu.memory_space<vmem>>, vector<16xi32>,
      %get3A_296 = arith.constant 2 : i32
      %get3A_297 = arith.index_cast %get3A_296 : i32 to index
      %get3A_298 = arith.constant 64 : index
      %get3A_299 = tpu.vector_load %arg10[%get3A_297, %get3A_298] {strides = array<i32>} : memref<5x80xi32, #tpu.memory_space<vmem>>, vector<16xi32>,
      %gather3A_300 = tpu.vector_load_idx %arg13[%get3A_295] : memref<10000xf32, #tpu.memory_space<vmem>>[vector<16xi32>], vector<16xf32>,
      tpu.vector_store_idx %arg12[%add3A_291, %broadcast_in_dim3A_1], %gather3A_300 : memref<400x128xf32, #tpu.memory_space<vmem>>[vector<16xi32>, vector<16xi32>], vector<16xf32>,
      %gather3A_301 = tpu.vector_load_idx %arg14[%get3A_295] : memref<10000xf32, #tpu.memory_space<vmem>>[vector<16xi32>], vector<16xf32>,
      tpu.vector_store_idx %arg12[%add3A_291, %broadcast_in_dim3A_3], %gather3A_301 : memref<400x128xf32, #tpu.memory_space<vmem>>[vector<16xi32>, vector<16xi32>], vector<16xf32>,
      %gather3A_302 = tpu.vector_load_idx %arg13[%get3A_299] : memref<10000xf32, #tpu.memory_space<vmem>>[vector<16xi32>], vector<16xf32>,
      tpu.vector_store_idx %arg12[%add3A_291, %broadcast_in_dim3A_5], %gather3A_302 : memref<400x128xf32, #tpu.memory_space<vmem>>[vector<16xi32>, vector<16xi32>], vector<16xf32>,
      %gather3A_303 = tpu.vector_load_idx %arg14[%get3A_299] : memref<10000xf32, #tpu.memory_space<vmem>>[vector<16xi32>], vector<16xf32>,
      tpu.vector_store_idx %arg12[%add3A_291, %broadcast_in_dim3A_7], %gather3A_303 : memref<400x128xf32, #tpu.memory_space<vmem>>[vector<16xi32>, vector<16xi32>], vector<16xf32>,
      %add3A_304 = arith.constant 240 : i32
      %add3A_305 = vector.broadcast %add3A_304 : i32 to vector<16xi32>
      %add3A_306 = arith.addi %iota3A, %add3A_305 : vector<16xi32>
      %get3A_307 = arith.constant 3 : i32
      %get3A_308 = arith.index_cast %get3A_307 : i32 to index
      %get3A_309 = arith.constant 0 : index
      %get3A_310 = tpu.vector_load %arg9[%get3A_308, %get3A_309] {strides = array<i32>} : memref<5x80xi32, #tpu.memory_space<vmem>>, vector<16xi32>,
      %get3A_311 = arith.constant 3 : i32
      %get3A_312 = arith.index_cast %get3A_311 : i32 to index
      %get3A_313 = arith.constant 0 : index
      %get3A_314 = tpu.vector_load %arg10[%get3A_312, %get3A_313] {strides = array<i32>} : memref<5x80xi32, #tpu.memory_space<vmem>>, vector<16xi32>,
      %gather3A_315 = tpu.vector_load_idx %arg13[%get3A_310] : memref<10000xf32, #tpu.memory_space<vmem>>[vector<16xi32>], vector<16xf32>,
      tpu.vector_store_idx %arg12[%add3A_306, %broadcast_in_dim3A_1], %gather3A_315 : memref<400x128xf32, #tpu.memory_space<vmem>>[vector<16xi32>, vector<16xi32>], vector<16xf32>,
      %gather3A_316 = tpu.vector_load_idx %arg14[%get3A_310] : memref<10000xf32, #tpu.memory_space<vmem>>[vector<16xi32>], vector<16xf32>,
      tpu.vector_store_idx %arg12[%add3A_306, %broadcast_in_dim3A_3], %gather3A_316 : memref<400x128xf32, #tpu.memory_space<vmem>>[vector<16xi32>, vector<16xi32>], vector<16xf32>,
      %gather3A_317 = tpu.vector_load_idx %arg13[%get3A_314] : memref<10000xf32, #tpu.memory_space<vmem>>[vector<16xi32>], vector<16xf32>,
      tpu.vector_store_idx %arg12[%add3A_306, %broadcast_in_dim3A_5], %gather3A_317 : memref<400x128xf32, #tpu.memory_space<vmem>>[vector<16xi32>, vector<16xi32>], vector<16xf32>,
      %gather3A_318 = tpu.vector_load_idx %arg14[%get3A_314] : memref<10000xf32, #tpu.memory_space<vmem>>[vector<16xi32>], vector<16xf32>,
      tpu.vector_store_idx %arg12[%add3A_306, %broadcast_in_dim3A_7], %gather3A_318 : memref<400x128xf32, #tpu.memory_space<vmem>>[vector<16xi32>, vector<16xi32>], vector<16xf32>,
      %add3A_319 = arith.constant 256 : i32
      %add3A_320 = vector.broadcast %add3A_319 : i32 to vector<16xi32>
      %add3A_321 = arith.addi %iota3A, %add3A_320 : vector<16xi32>
      %get3A_322 = arith.constant 3 : i32
      %get3A_323 = arith.index_cast %get3A_322 : i32 to index
      %get3A_324 = arith.constant 16 : index
      %get3A_325 = tpu.vector_load %arg9[%get3A_323, %get3A_324] {strides = array<i32>} : memref<5x80xi32, #tpu.memory_space<vmem>>, vector<16xi32>,
      %get3A_326 = arith.constant 3 : i32
      %get3A_327 = arith.index_cast %get3A_326 : i32 to index
      %get3A_328 = arith.constant 16 : index
      %get3A_329 = tpu.vector_load %arg10[%get3A_327, %get3A_328] {strides = array<i32>} : memref<5x80xi32, #tpu.memory_space<vmem>>, vector<16xi32>,
      %gather3A_330 = tpu.vector_load_idx %arg13[%get3A_325] : memref<10000xf32, #tpu.memory_space<vmem>>[vector<16xi32>], vector<16xf32>,
      tpu.vector_store_idx %arg12[%add3A_321, %broadcast_in_dim3A_1], %gather3A_330 : memref<400x128xf32, #tpu.memory_space<vmem>>[vector<16xi32>, vector<16xi32>], vector<16xf32>,
      %gather3A_331 = tpu.vector_load_idx %arg14[%get3A_325] : memref<10000xf32, #tpu.memory_space<vmem>>[vector<16xi32>], vector<16xf32>,
      tpu.vector_store_idx %arg12[%add3A_321, %broadcast_in_dim3A_3], %gather3A_331 : memref<400x128xf32, #tpu.memory_space<vmem>>[vector<16xi32>, vector<16xi32>], vector<16xf32>,
      %gather3A_332 = tpu.vector_load_idx %arg13[%get3A_329] : memref<10000xf32, #tpu.memory_space<vmem>>[vector<16xi32>], vector<16xf32>,
      tpu.vector_store_idx %arg12[%add3A_321, %broadcast_in_dim3A_5], %gather3A_332 : memref<400x128xf32, #tpu.memory_space<vmem>>[vector<16xi32>, vector<16xi32>], vector<16xf32>,
      %gather3A_333 = tpu.vector_load_idx %arg14[%get3A_329] : memref<10000xf32, #tpu.memory_space<vmem>>[vector<16xi32>], vector<16xf32>,
      tpu.vector_store_idx %arg12[%add3A_321, %broadcast_in_dim3A_7], %gather3A_333 : memref<400x128xf32, #tpu.memory_space<vmem>>[vector<16xi32>, vector<16xi32>], vector<16xf32>,
      %add3A_334 = arith.constant 272 : i32
      %add3A_335 = vector.broadcast %add3A_334 : i32 to vector<16xi32>
      %add3A_336 = arith.addi %iota3A, %add3A_335 : vector<16xi32>
      %get3A_337 = arith.constant 3 : i32
      %get3A_338 = arith.index_cast %get3A_337 : i32 to index
      %get3A_339 = arith.constant 32 : index
      %get3A_340 = tpu.vector_load %arg9[%get3A_338, %get3A_339] {strides = array<i32>} : memref<5x80xi32, #tpu.memory_space<vmem>>, vector<16xi32>,
      %get3A_341 = arith.constant 3 : i32
      %get3A_342 = arith.index_cast %get3A_341 : i32 to index
      %get3A_343 = arith.constant 32 : index
      %get3A_344 = tpu.vector_load %arg10[%get3A_342, %get3A_343] {strides = array<i32>} : memref<5x80xi32, #tpu.memory_space<vmem>>, vector<16xi32>,
      %gather3A_345 = tpu.vector_load_idx %arg13[%get3A_340] : memref<10000xf32, #tpu.memory_space<vmem>>[vector<16xi32>], vector<16xf32>,
      tpu.vector_store_idx %arg12[%add3A_336, %broadcast_in_dim3A_1], %gather3A_345 : memref<400x128xf32, #tpu.memory_space<vmem>>[vector<16xi32>, vector<16xi32>], vector<16xf32>,
      %gather3A_346 = tpu.vector_load_idx %arg14[%get3A_340] : memref<10000xf32, #tpu.memory_space<vmem>>[vector<16xi32>], vector<16xf32>,
      tpu.vector_store_idx %arg12[%add3A_336, %broadcast_in_dim3A_3], %gather3A_346 : memref<400x128xf32, #tpu.memory_space<vmem>>[vector<16xi32>, vector<16xi32>], vector<16xf32>,
      %gather3A_347 = tpu.vector_load_idx %arg13[%get3A_344] : memref<10000xf32, #tpu.memory_space<vmem>>[vector<16xi32>], vector<16xf32>,
      tpu.vector_store_idx %arg12[%add3A_336, %broadcast_in_dim3A_5], %gather3A_347 : memref<400x128xf32, #tpu.memory_space<vmem>>[vector<16xi32>, vector<16xi32>], vector<16xf32>,
      %gather3A_348 = tpu.vector_load_idx %arg14[%get3A_344] : memref<10000xf32, #tpu.memory_space<vmem>>[vector<16xi32>], vector<16xf32>,
      tpu.vector_store_idx %arg12[%add3A_336, %broadcast_in_dim3A_7], %gather3A_348 : memref<400x128xf32, #tpu.memory_space<vmem>>[vector<16xi32>, vector<16xi32>], vector<16xf32>,
      %add3A_349 = arith.constant 288 : i32
      %add3A_350 = vector.broadcast %add3A_349 : i32 to vector<16xi32>
      %add3A_351 = arith.addi %iota3A, %add3A_350 : vector<16xi32>
      %get3A_352 = arith.constant 3 : i32
      %get3A_353 = arith.index_cast %get3A_352 : i32 to index
      %get3A_354 = arith.constant 48 : index
      %get3A_355 = tpu.vector_load %arg9[%get3A_353, %get3A_354] {strides = array<i32>} : memref<5x80xi32, #tpu.memory_space<vmem>>, vector<16xi32>,
      %get3A_356 = arith.constant 3 : i32
      %get3A_357 = arith.index_cast %get3A_356 : i32 to index
      %get3A_358 = arith.constant 48 : index
      %get3A_359 = tpu.vector_load %arg10[%get3A_357, %get3A_358] {strides = array<i32>} : memref<5x80xi32, #tpu.memory_space<vmem>>, vector<16xi32>,
      %gather3A_360 = tpu.vector_load_idx %arg13[%get3A_355] : memref<10000xf32, #tpu.memory_space<vmem>>[vector<16xi32>], vector<16xf32>,
      tpu.vector_store_idx %arg12[%add3A_351, %broadcast_in_dim3A_1], %gather3A_360 : memref<400x128xf32, #tpu.memory_space<vmem>>[vector<16xi32>, vector<16xi32>], vector<16xf32>,
      %gather3A_361 = tpu.vector_load_idx %arg14[%get3A_355] : memref<10000xf32, #tpu.memory_space<vmem>>[vector<16xi32>], vector<16xf32>,
      tpu.vector_store_idx %arg12[%add3A_351, %broadcast_in_dim3A_3], %gather3A_361 : memref<400x128xf32, #tpu.memory_space<vmem>>[vector<16xi32>, vector<16xi32>], vector<16xf32>,
      %gather3A_362 = tpu.vector_load_idx %arg13[%get3A_359] : memref<10000xf32, #tpu.memory_space<vmem>>[vector<16xi32>], vector<16xf32>,
      tpu.vector_store_idx %arg12[%add3A_351, %broadcast_in_dim3A_5], %gather3A_362 : memref<400x128xf32, #tpu.memory_space<vmem>>[vector<16xi32>, vector<16xi32>], vector<16xf32>,
      %gather3A_363 = tpu.vector_load_idx %arg14[%get3A_359] : memref<10000xf32, #tpu.memory_space<vmem>>[vector<16xi32>], vector<16xf32>,
      tpu.vector_store_idx %arg12[%add3A_351, %broadcast_in_dim3A_7], %gather3A_363 : memref<400x128xf32, #tpu.memory_space<vmem>>[vector<16xi32>, vector<16xi32>], vector<16xf32>,
      %add3A_364 = arith.constant 304 : i32
      %add3A_365 = vector.broadcast %add3A_364 : i32 to vector<16xi32>
      %add3A_366 = arith.addi %iota3A, %add3A_365 : vector<16xi32>
      %get3A_367 = arith.constant 3 : i32
      %get3A_368 = arith.index_cast %get3A_367 : i32 to index
      %get3A_369 = arith.constant 64 : index
      %get3A_370 = tpu.vector_load %arg9[%get3A_368, %get3A_369] {strides = array<i32>} : memref<5x80xi32, #tpu.memory_space<vmem>>, vector<16xi32>,
      %get3A_371 = arith.constant 3 : i32
      %get3A_372 = arith.index_cast %get3A_371 : i32 to index
      %get3A_373 = arith.constant 64 : index
      %get3A_374 = tpu.vector_load %arg10[%get3A_372, %get3A_373] {strides = array<i32>} : memref<5x80xi32, #tpu.memory_space<vmem>>, vector<16xi32>,
      %gather3A_375 = tpu.vector_load_idx %arg13[%get3A_370] : memref<10000xf32, #tpu.memory_space<vmem>>[vector<16xi32>], vector<16xf32>,
      tpu.vector_store_idx %arg12[%add3A_366, %broadcast_in_dim3A_1], %gather3A_375 : memref<400x128xf32, #tpu.memory_space<vmem>>[vector<16xi32>, vector<16xi32>], vector<16xf32>,
      %gather3A_376 = tpu.vector_load_idx %arg14[%get3A_370] : memref<10000xf32, #tpu.memory_space<vmem>>[vector<16xi32>], vector<16xf32>,
      tpu.vector_store_idx %arg12[%add3A_366, %broadcast_in_dim3A_3], %gather3A_376 : memref<400x128xf32, #tpu.memory_space<vmem>>[vector<16xi32>, vector<16xi32>], vector<16xf32>,
      %gather3A_377 = tpu.vector_load_idx %arg13[%get3A_374] : memref<10000xf32, #tpu.memory_space<vmem>>[vector<16xi32>], vector<16xf32>,
      tpu.vector_store_idx %arg12[%add3A_366, %broadcast_in_dim3A_5], %gather3A_377 : memref<400x128xf32, #tpu.memory_space<vmem>>[vector<16xi32>, vector<16xi32>], vector<16xf32>,
      %gather3A_378 = tpu.vector_load_idx %arg14[%get3A_374] : memref<10000xf32, #tpu.memory_space<vmem>>[vector<16xi32>], vector<16xf32>,
      tpu.vector_store_idx %arg12[%add3A_366, %broadcast_in_dim3A_7], %gather3A_378 : memref<400x128xf32, #tpu.memory_space<vmem>>[vector<16xi32>, vector<16xi32>], vector<16xf32>,
      %add3A_379 = arith.constant 320 : i32
      %add3A_380 = vector.broadcast %add3A_379 : i32 to vector<16xi32>
      %add3A_381 = arith.addi %iota3A, %add3A_380 : vector<16xi32>
      %get3A_382 = arith.constant 4 : i32
      %get3A_383 = arith.index_cast %get3A_382 : i32 to index
      %get3A_384 = arith.constant 0 : index
      %get3A_385 = tpu.vector_load %arg9[%get3A_383, %get3A_384] {strides = array<i32>} : memref<5x80xi32, #tpu.memory_space<vmem>>, vector<16xi32>,
      %get3A_386 = arith.constant 4 : i32
      %get3A_387 = arith.index_cast %get3A_386 : i32 to index
      %get3A_388 = arith.constant 0 : index
      %get3A_389 = tpu.vector_load %arg10[%get3A_387, %get3A_388] {strides = array<i32>} : memref<5x80xi32, #tpu.memory_space<vmem>>, vector<16xi32>,
      %gather3A_390 = tpu.vector_load_idx %arg13[%get3A_385] : memref<10000xf32, #tpu.memory_space<vmem>>[vector<16xi32>], vector<16xf32>,
      tpu.vector_store_idx %arg12[%add3A_381, %broadcast_in_dim3A_1], %gather3A_390 : memref<400x128xf32, #tpu.memory_space<vmem>>[vector<16xi32>, vector<16xi32>], vector<16xf32>,
      %gather3A_391 = tpu.vector_load_idx %arg14[%get3A_385] : memref<10000xf32, #tpu.memory_space<vmem>>[vector<16xi32>], vector<16xf32>,
      tpu.vector_store_idx %arg12[%add3A_381, %broadcast_in_dim3A_3], %gather3A_391 : memref<400x128xf32, #tpu.memory_space<vmem>>[vector<16xi32>, vector<16xi32>], vector<16xf32>,
      %gather3A_392 = tpu.vector_load_idx %arg13[%get3A_389] : memref<10000xf32, #tpu.memory_space<vmem>>[vector<16xi32>], vector<16xf32>,
      tpu.vector_store_idx %arg12[%add3A_381, %broadcast_in_dim3A_5], %gather3A_392 : memref<400x128xf32, #tpu.memory_space<vmem>>[vector<16xi32>, vector<16xi32>], vector<16xf32>,
      %gather3A_393 = tpu.vector_load_idx %arg14[%get3A_389] : memref<10000xf32, #tpu.memory_space<vmem>>[vector<16xi32>], vector<16xf32>,
      tpu.vector_store_idx %arg12[%add3A_381, %broadcast_in_dim3A_7], %gather3A_393 : memref<400x128xf32, #tpu.memory_space<vmem>>[vector<16xi32>, vector<16xi32>], vector<16xf32>,
      %add3A_394 = arith.constant 336 : i32
      %add3A_395 = vector.broadcast %add3A_394 : i32 to vector<16xi32>
      %add3A_396 = arith.addi %iota3A, %add3A_395 : vector<16xi32>
      %get3A_397 = arith.constant 4 : i32
      %get3A_398 = arith.index_cast %get3A_397 : i32 to index
      %get3A_399 = arith.constant 16 : index
      %get3A_400 = tpu.vector_load %arg9[%get3A_398, %get3A_399] {strides = array<i32>} : memref<5x80xi32, #tpu.memory_space<vmem>>, vector<16xi32>,
      %get3A_401 = arith.constant 4 : i32
      %get3A_402 = arith.index_cast %get3A_401 : i32 to index
      %get3A_403 = arith.constant 16 : index
      %get3A_404 = tpu.vector_load %arg10[%get3A_402, %get3A_403] {strides = array<i32>} : memref<5x80xi32, #tpu.memory_space<vmem>>, vector<16xi32>,
      %gather3A_405 = tpu.vector_load_idx %arg13[%get3A_400] : memref<10000xf32, #tpu.memory_space<vmem>>[vector<16xi32>], vector<16xf32>,
      tpu.vector_store_idx %arg12[%add3A_396, %broadcast_in_dim3A_1], %gather3A_405 : memref<400x128xf32, #tpu.memory_space<vmem>>[vector<16xi32>, vector<16xi32>], vector<16xf32>,
      %gather3A_406 = tpu.vector_load_idx %arg14[%get3A_400] : memref<10000xf32, #tpu.memory_space<vmem>>[vector<16xi32>], vector<16xf32>,
      tpu.vector_store_idx %arg12[%add3A_396, %broadcast_in_dim3A_3], %gather3A_406 : memref<400x128xf32, #tpu.memory_space<vmem>>[vector<16xi32>, vector<16xi32>], vector<16xf32>,
      %gather3A_407 = tpu.vector_load_idx %arg13[%get3A_404] : memref<10000xf32, #tpu.memory_space<vmem>>[vector<16xi32>], vector<16xf32>,
      tpu.vector_store_idx %arg12[%add3A_396, %broadcast_in_dim3A_5], %gather3A_407 : memref<400x128xf32, #tpu.memory_space<vmem>>[vector<16xi32>, vector<16xi32>], vector<16xf32>,
      %gather3A_408 = tpu.vector_load_idx %arg14[%get3A_404] : memref<10000xf32, #tpu.memory_space<vmem>>[vector<16xi32>], vector<16xf32>,
      tpu.vector_store_idx %arg12[%add3A_396, %broadcast_in_dim3A_7], %gather3A_408 : memref<400x128xf32, #tpu.memory_space<vmem>>[vector<16xi32>, vector<16xi32>], vector<16xf32>,
      %add3A_409 = arith.constant 352 : i32
      %add3A_410 = vector.broadcast %add3A_409 : i32 to vector<16xi32>
      %add3A_411 = arith.addi %iota3A, %add3A_410 : vector<16xi32>
      %get3A_412 = arith.constant 4 : i32
      %get3A_413 = arith.index_cast %get3A_412 : i32 to index
      %get3A_414 = arith.constant 32 : index
      %get3A_415 = tpu.vector_load %arg9[%get3A_413, %get3A_414] {strides = array<i32>} : memref<5x80xi32, #tpu.memory_space<vmem>>, vector<16xi32>,
      %get3A_416 = arith.constant 4 : i32
      %get3A_417 = arith.index_cast %get3A_416 : i32 to index
      %get3A_418 = arith.constant 32 : index
      %get3A_419 = tpu.vector_load %arg10[%get3A_417, %get3A_418] {strides = array<i32>} : memref<5x80xi32, #tpu.memory_space<vmem>>, vector<16xi32>,
      %gather3A_420 = tpu.vector_load_idx %arg13[%get3A_415] : memref<10000xf32, #tpu.memory_space<vmem>>[vector<16xi32>], vector<16xf32>,
      tpu.vector_store_idx %arg12[%add3A_411, %broadcast_in_dim3A_1], %gather3A_420 : memref<400x128xf32, #tpu.memory_space<vmem>>[vector<16xi32>, vector<16xi32>], vector<16xf32>,
      %gather3A_421 = tpu.vector_load_idx %arg14[%get3A_415] : memref<10000xf32, #tpu.memory_space<vmem>>[vector<16xi32>], vector<16xf32>,
      tpu.vector_store_idx %arg12[%add3A_411, %broadcast_in_dim3A_3], %gather3A_421 : memref<400x128xf32, #tpu.memory_space<vmem>>[vector<16xi32>, vector<16xi32>], vector<16xf32>,
      %gather3A_422 = tpu.vector_load_idx %arg13[%get3A_419] : memref<10000xf32, #tpu.memory_space<vmem>>[vector<16xi32>], vector<16xf32>,
      tpu.vector_store_idx %arg12[%add3A_411, %broadcast_in_dim3A_5], %gather3A_422 : memref<400x128xf32, #tpu.memory_space<vmem>>[vector<16xi32>, vector<16xi32>], vector<16xf32>,
      %gather3A_423 = tpu.vector_load_idx %arg14[%get3A_419] : memref<10000xf32, #tpu.memory_space<vmem>>[vector<16xi32>], vector<16xf32>,
      tpu.vector_store_idx %arg12[%add3A_411, %broadcast_in_dim3A_7], %gather3A_423 : memref<400x128xf32, #tpu.memory_space<vmem>>[vector<16xi32>, vector<16xi32>], vector<16xf32>,
      %add3A_424 = arith.constant 368 : i32
      %add3A_425 = vector.broadcast %add3A_424 : i32 to vector<16xi32>
      %add3A_426 = arith.addi %iota3A, %add3A_425 : vector<16xi32>
      %get3A_427 = arith.constant 4 : i32
      %get3A_428 = arith.index_cast %get3A_427 : i32 to index
      %get3A_429 = arith.constant 48 : index
      %get3A_430 = tpu.vector_load %arg9[%get3A_428, %get3A_429] {strides = array<i32>} : memref<5x80xi32, #tpu.memory_space<vmem>>, vector<16xi32>,
      %get3A_431 = arith.constant 4 : i32
      %get3A_432 = arith.index_cast %get3A_431 : i32 to index
      %get3A_433 = arith.constant 48 : index
      %get3A_434 = tpu.vector_load %arg10[%get3A_432, %get3A_433] {strides = array<i32>} : memref<5x80xi32, #tpu.memory_space<vmem>>, vector<16xi32>,
      %gather3A_435 = tpu.vector_load_idx %arg13[%get3A_430] : memref<10000xf32, #tpu.memory_space<vmem>>[vector<16xi32>], vector<16xf32>,
      tpu.vector_store_idx %arg12[%add3A_426, %broadcast_in_dim3A_1], %gather3A_435 : memref<400x128xf32, #tpu.memory_space<vmem>>[vector<16xi32>, vector<16xi32>], vector<16xf32>,
      %gather3A_436 = tpu.vector_load_idx %arg14[%get3A_430] : memref<10000xf32, #tpu.memory_space<vmem>>[vector<16xi32>], vector<16xf32>,
      tpu.vector_store_idx %arg12[%add3A_426, %broadcast_in_dim3A_3], %gather3A_436 : memref<400x128xf32, #tpu.memory_space<vmem>>[vector<16xi32>, vector<16xi32>], vector<16xf32>,
      %gather3A_437 = tpu.vector_load_idx %arg13[%get3A_434] : memref<10000xf32, #tpu.memory_space<vmem>>[vector<16xi32>], vector<16xf32>,
      tpu.vector_store_idx %arg12[%add3A_426, %broadcast_in_dim3A_5], %gather3A_437 : memref<400x128xf32, #tpu.memory_space<vmem>>[vector<16xi32>, vector<16xi32>], vector<16xf32>,
      %gather3A_438 = tpu.vector_load_idx %arg14[%get3A_434] : memref<10000xf32, #tpu.memory_space<vmem>>[vector<16xi32>], vector<16xf32>,
      tpu.vector_store_idx %arg12[%add3A_426, %broadcast_in_dim3A_7], %gather3A_438 : memref<400x128xf32, #tpu.memory_space<vmem>>[vector<16xi32>, vector<16xi32>], vector<16xf32>,
      %add3A_439 = arith.constant 384 : i32
      %add3A_440 = vector.broadcast %add3A_439 : i32 to vector<16xi32>
      %add3A_441 = arith.addi %iota3A, %add3A_440 : vector<16xi32>
      %get3A_442 = arith.constant 4 : i32
      %get3A_443 = arith.index_cast %get3A_442 : i32 to index
      %get3A_444 = arith.constant 64 : index
      %get3A_445 = tpu.vector_load %arg9[%get3A_443, %get3A_444] {strides = array<i32>} : memref<5x80xi32, #tpu.memory_space<vmem>>, vector<16xi32>,
      %get3A_446 = arith.constant 4 : i32
      %get3A_447 = arith.index_cast %get3A_446 : i32 to index
      %get3A_448 = arith.constant 64 : index
      %get3A_449 = tpu.vector_load %arg10[%get3A_447, %get3A_448] {strides = array<i32>} : memref<5x80xi32, #tpu.memory_space<vmem>>, vector<16xi32>,
      %gather3A_450 = tpu.vector_load_idx %arg13[%get3A_445] : memref<10000xf32, #tpu.memory_space<vmem>>[vector<16xi32>], vector<16xf32>,
      tpu.vector_store_idx %arg12[%add3A_441, %broadcast_in_dim3A_1], %gather3A_450 : memref<400x128xf32, #tpu.memory_space<vmem>>[vector<16xi32>, vector<16xi32>], vector<16xf32>,
      %gather3A_451 = tpu.vector_load_idx %arg14[%get3A_445] : memref<10000xf32, #tpu.memory_space<vmem>>[vector<16xi32>], vector<16xf32>,
      tpu.vector_store_idx %arg12[%add3A_441, %broadcast_in_dim3A_3], %gather3A_451 : memref<400x128xf32, #tpu.memory_space<vmem>>[vector<16xi32>, vector<16xi32>], vector<16xf32>,
      %gather3A_452 = tpu.vector_load_idx %arg13[%get3A_449] : memref<10000xf32, #tpu.memory_space<vmem>>[vector<16xi32>], vector<16xf32>,
      tpu.vector_store_idx %arg12[%add3A_441, %broadcast_in_dim3A_5], %gather3A_452 : memref<400x128xf32, #tpu.memory_space<vmem>>[vector<16xi32>, vector<16xi32>], vector<16xf32>,
      %gather3A_453 = tpu.vector_load_idx %arg14[%get3A_449] : memref<10000xf32, #tpu.memory_space<vmem>>[vector<16xi32>], vector<16xf32>,
      tpu.vector_store_idx %arg12[%add3A_441, %broadcast_in_dim3A_7], %gather3A_453 : memref<400x128xf32, #tpu.memory_space<vmem>>[vector<16xi32>, vector<16xi32>], vector<16xf32>,
      %dma_wait3A_454 = arith.constant 0 : i32
      %dma_wait3A_455 = arith.constant 0 : i32
      %dma_wait3A_456 = tpu.memref_slice %arg2[%dma_wait3A_454, %dma_wait3A_455] : memref<10000x128xf32, #tpu.memory_space<hbm>> -> memref<400x128xf32, #tpu.memory_space<hbm>>
      %dma_wait3A_457 = arith.constant 0 : i32
      %dma_wait3A_458 = arith.constant 0 : i32
      %dma_wait3A_459 = tpu.memref_slice %arg2[%dma_wait3A_457, %dma_wait3A_458] : memref<10000x128xf32, #tpu.memory_space<hbm>> -> memref<400x128xf32, #tpu.memory_space<hbm>>
      tpu.wait_dma2 semaphore(%arg15 : memref<!tpu.dma_semaphore, #tpu.memory_space<semaphore_mem>>) src(%dma_wait3A_459 : memref<400x128xf32, #tpu.memory_space<hbm>>) dst(%arg11 : memref<400x128xf32, #tpu.memory_space<vmem>>)
      %mul3A_460 = arith.constant 10000 : i32
      %mul3A_461 = arith.muli %add3A, %mul3A_460 : i32
      %mul3A_462 = arith.constant 400 : i32
      %mul3A_463 = arith.muli %scan3A_24, %mul3A_462 : i32
      %add3A_464 = arith.addi %mul3A_461, %mul3A_463 : i32
      %dma_start3A_465 = arith.constant 0 : i32
      %dma_start3A_466 = tpu.memref_slice %arg7[%add3A_464, %dma_start3A_465] : memref<320000x256xf32, #tpu.memory_space<hbm>> -> memref<400x128xf32, #tpu.memory_space<hbm>>
      %dma_start3A_467 = arith.constant 0 : i32
      %dma_start3A_468 = tpu.memref_slice %arg7[%add3A_464, %dma_start3A_467] : memref<320000x256xf32, #tpu.memory_space<hbm>> -> memref<400x128xf32, #tpu.memory_space<hbm>>
      tpu.enqueue_dma source(%arg11 : memref<400x128xf32, #tpu.memory_space<vmem>>) target(%dma_start3A_468 : memref<400x128xf32, #tpu.memory_space<hbm>>) target_semaphore(%arg16 : memref<!tpu.dma_semaphore, #tpu.memory_space<semaphore_mem>>)
      %dma_start3A_469 = arith.constant 0 : i32
      %dma_start3A_470 = tpu.memref_slice %arg8[%add3A_464, %dma_start3A_469] : memref<320000x128xf32, #tpu.memory_space<hbm>> -> memref<400x128xf32, #tpu.memory_space<hbm>>
      %dma_start3A_471 = arith.constant 0 : i32
      %dma_start3A_472 = tpu.memref_slice %arg8[%add3A_464, %dma_start3A_471] : memref<320000x128xf32, #tpu.memory_space<hbm>> -> memref<400x128xf32, #tpu.memory_space<hbm>>
      tpu.enqueue_dma source(%arg12 : memref<400x128xf32, #tpu.memory_space<vmem>>) target(%dma_start3A_472 : memref<400x128xf32, #tpu.memory_space<hbm>>) target_semaphore(%arg17 : memref<!tpu.dma_semaphore, #tpu.memory_space<semaphore_mem>>)
    }
    %scan3A_12 = arith.constant 25 : i32
    %dma_wait3A = arith.constant 0 : i32
    %dma_wait3A_13 = arith.constant 0 : i32
    %dma_wait3A_14 = tpu.memref_slice %arg2[%dma_wait3A, %dma_wait3A_13] : memref<10000x128xf32, #tpu.memory_space<hbm>> -> memref<400x128xf32, #tpu.memory_space<hbm>>
    %dma_wait3A_15 = arith.constant 0 : i32
    %dma_wait3A_16 = arith.constant 0 : i32
    %dma_wait3A_17 = tpu.memref_slice %arg2[%dma_wait3A_15, %dma_wait3A_16] : memref<10000x128xf32, #tpu.memory_space<hbm>> -> memref<400x128xf32, #tpu.memory_space<hbm>>
    tpu.wait_dma2 semaphore(%arg16 : memref<!tpu.dma_semaphore, #tpu.memory_space<semaphore_mem>>) src(%dma_wait3A_17 : memref<400x128xf32, #tpu.memory_space<hbm>>) dst(%arg11 : memref<400x128xf32, #tpu.memory_space<vmem>>)
    %dma_wait3A_18 = arith.constant 0 : i32
    %dma_wait3A_19 = arith.constant 0 : i32
    %dma_wait3A_20 = tpu.memref_slice %arg8[%dma_wait3A_18, %dma_wait3A_19] : memref<320000x128xf32, #tpu.memory_space<hbm>> -> memref<400x128xf32, #tpu.memory_space<hbm>>
    %dma_wait3A_21 = arith.constant 0 : i32
    %dma_wait3A_22 = arith.constant 0 : i32
    %dma_wait3A_23 = tpu.memref_slice %arg8[%dma_wait3A_21, %dma_wait3A_22] : memref<320000x128xf32, #tpu.memory_space<hbm>> -> memref<400x128xf32, #tpu.memory_space<hbm>>
    tpu.wait_dma2 semaphore(%arg17 : memref<!tpu.dma_semaphore, #tpu.memory_space<semaphore_mem>>) src(%dma_wait3A_23 : memref<400x128xf32, #tpu.memory_space<hbm>>) dst(%arg12 : memref<400x128xf32, #tpu.memory_space<vmem>>)
    return
  }
}

module attributes {stable_mosaic.version = 14 : i64} {
  func.func @_tc_body(%arg0: i32, %arg1: memref<4000x128xf32, #tpu.memory_space<vmem>>, %arg2: memref<8x64xf32, #tpu.memory_space<vmem>>, %arg3: memref<1x64xf32, #tpu.memory_space<vmem>>, %arg4: memref<64x128xf32, #tpu.memory_space<vmem>>, %arg5: memref<1x128xf32, #tpu.memory_space<vmem>>, %arg6: memref<320000x256xf32, #tpu.memory_space<hbm>>, %arg7: memref<4000x128xf32, #tpu.memory_space<vmem>>) attributes {dimension_semantics = [#tpu.dimension_semantics<arbitrary>], iteration_bounds = array<i64: 80>, scalar_prefetch = 0 : i64, scratch_operands = 0 : i64, tpu.core_type = #tpu.core_type<tc>, window_params = [{transform_indices = @transform_0, window_bounds = array<i64: 4000, 128>}, {pipeline_mode = #tpu.pipeline_mode<synchronous>, transform_indices = @transform_1, window_bounds = array<i64: 8, 64>}, {pipeline_mode = #tpu.pipeline_mode<synchronous>, transform_indices = @transform_2, window_bounds = array<i64: 1, 64>}, {pipeline_mode = #tpu.pipeline_mode<synchronous>, transform_indices = @transform_3, window_bounds = array<i64: 64, 128>}, {pipeline_mode = #tpu.pipeline_mode<synchronous>, transform_indices = @transform_4, window_bounds = array<i64: 1, 128>}, {}, {transform_indices = @transform_6, window_bounds = array<i64: 4000, 128>}]} {
    %get3A = arith.constant 0 : index
    %get3A_0 = arith.constant 0 : index
    %get3A_1 = vector.load %arg1[%get3A, %get3A_0] : memref<4000x128xf32, #tpu.memory_space<vmem>>, vector<4000x128xf32>
    %slice3A = vector.extract_strided_slice %get3A_1 {offsets = [0, 0], sizes = [4000, 1], strides = [1, 1]} : vector<4000x128xf32> to vector<4000x1xf32>
    %slice3A_2 = vector.extract_strided_slice %get3A_1 {offsets = [0, 1], sizes = [4000, 1], strides = [1, 1]} : vector<4000x128xf32> to vector<4000x1xf32>
    %slice3A_3 = vector.extract_strided_slice %get3A_1 {offsets = [0, 2], sizes = [4000, 1], strides = [1, 1]} : vector<4000x128xf32> to vector<4000x1xf32>
    %slice3A_4 = vector.extract_strided_slice %get3A_1 {offsets = [0, 3], sizes = [4000, 1], strides = [1, 1]} : vector<4000x128xf32> to vector<4000x1xf32>
    %sub3A = arith.subf %slice3A_3, %slice3A : vector<4000x1xf32>
    %sub3A_5 = arith.subf %slice3A_4, %slice3A_2 : vector<4000x1xf32>
    %mul3A = arith.mulf %sub3A, %sub3A : vector<4000x1xf32>
    %mul3A_6 = arith.mulf %sub3A_5, %sub3A_5 : vector<4000x1xf32>
    %add3A = arith.addf %mul3A, %mul3A_6 : vector<4000x1xf32>
    %sqrt3A = math.sqrt %add3A : vector<4000x1xf32>
    %get3A_7 = arith.constant 0 : index
    %get3A_8 = arith.constant 0 : index
    %get3A_9 = vector.load %arg2[%get3A_7, %get3A_8] : memref<8x64xf32, #tpu.memory_space<vmem>>, vector<8x64xf32>
    %slice3A_10 = vector.extract_strided_slice %get3A_9 {offsets = [0, 0], sizes = [1, 64], strides = [1, 1]} : vector<8x64xf32> to vector<1x64xf32>
    %mul3A_11 = vector.broadcast %slice3A : vector<4000x1xf32> to vector<4000x64xf32>
    %mul3A_12 = vector.broadcast %slice3A_10 : vector<1x64xf32> to vector<4000x64xf32>
    %mul3A_13 = arith.mulf %mul3A_11, %mul3A_12 : vector<4000x64xf32>
    %slice3A_14 = vector.extract_strided_slice %get3A_9 {offsets = [1, 0], sizes = [1, 64], strides = [1, 1]} : vector<8x64xf32> to vector<1x64xf32>
    %mul3A_15 = vector.broadcast %slice3A_2 : vector<4000x1xf32> to vector<4000x64xf32>
    %mul3A_16 = vector.broadcast %slice3A_14 : vector<1x64xf32> to vector<4000x64xf32>
    %mul3A_17 = arith.mulf %mul3A_15, %mul3A_16 : vector<4000x64xf32>
    %add3A_18 = arith.addf %mul3A_13, %mul3A_17 : vector<4000x64xf32>
    %slice3A_19 = vector.extract_strided_slice %get3A_9 {offsets = [2, 0], sizes = [1, 64], strides = [1, 1]} : vector<8x64xf32> to vector<1x64xf32>
    %mul3A_20 = vector.broadcast %slice3A_3 : vector<4000x1xf32> to vector<4000x64xf32>
    %mul3A_21 = vector.broadcast %slice3A_19 : vector<1x64xf32> to vector<4000x64xf32>
    %mul3A_22 = arith.mulf %mul3A_20, %mul3A_21 : vector<4000x64xf32>
    %add3A_23 = arith.addf %add3A_18, %mul3A_22 : vector<4000x64xf32>
    %slice3A_24 = vector.extract_strided_slice %get3A_9 {offsets = [3, 0], sizes = [1, 64], strides = [1, 1]} : vector<8x64xf32> to vector<1x64xf32>
    %mul3A_25 = vector.broadcast %slice3A_4 : vector<4000x1xf32> to vector<4000x64xf32>
    %mul3A_26 = vector.broadcast %slice3A_24 : vector<1x64xf32> to vector<4000x64xf32>
    %mul3A_27 = arith.mulf %mul3A_25, %mul3A_26 : vector<4000x64xf32>
    %add3A_28 = arith.addf %add3A_23, %mul3A_27 : vector<4000x64xf32>
    %slice3A_29 = vector.extract_strided_slice %get3A_9 {offsets = [4, 0], sizes = [1, 64], strides = [1, 1]} : vector<8x64xf32> to vector<1x64xf32>
    %mul3A_30 = vector.broadcast %sub3A : vector<4000x1xf32> to vector<4000x64xf32>
    %mul3A_31 = vector.broadcast %slice3A_29 : vector<1x64xf32> to vector<4000x64xf32>
    %mul3A_32 = arith.mulf %mul3A_30, %mul3A_31 : vector<4000x64xf32>
    %add3A_33 = arith.addf %add3A_28, %mul3A_32 : vector<4000x64xf32>
    %slice3A_34 = vector.extract_strided_slice %get3A_9 {offsets = [5, 0], sizes = [1, 64], strides = [1, 1]} : vector<8x64xf32> to vector<1x64xf32>
    %mul3A_35 = vector.broadcast %sub3A_5 : vector<4000x1xf32> to vector<4000x64xf32>
    %mul3A_36 = vector.broadcast %slice3A_34 : vector<1x64xf32> to vector<4000x64xf32>
    %mul3A_37 = arith.mulf %mul3A_35, %mul3A_36 : vector<4000x64xf32>
    %add3A_38 = arith.addf %add3A_33, %mul3A_37 : vector<4000x64xf32>
    %slice3A_39 = vector.extract_strided_slice %get3A_9 {offsets = [6, 0], sizes = [1, 64], strides = [1, 1]} : vector<8x64xf32> to vector<1x64xf32>
    %mul3A_40 = vector.broadcast %sqrt3A : vector<4000x1xf32> to vector<4000x64xf32>
    %mul3A_41 = vector.broadcast %slice3A_39 : vector<1x64xf32> to vector<4000x64xf32>
    %mul3A_42 = arith.mulf %mul3A_40, %mul3A_41 : vector<4000x64xf32>
    %add3A_43 = arith.addf %add3A_38, %mul3A_42 : vector<4000x64xf32>
    %get3A_44 = arith.constant 0 : index
    %get3A_45 = arith.constant 0 : index
    %get3A_46 = vector.load %arg3[%get3A_44, %get3A_45] : memref<1x64xf32, #tpu.memory_space<vmem>>, vector<1x64xf32>
    %add3A_47 = vector.broadcast %get3A_46 : vector<1x64xf32> to vector<4000x64xf32>
    %add3A_48 = arith.addf %add3A_43, %add3A_47 : vector<4000x64xf32>
    %max3A = arith.constant 0.000000e+00 : f32
    %max3A_49 = vector.broadcast %max3A : f32 to vector<4000x64xf32>
    %max3A_50 = arith.maximumf %add3A_48, %max3A_49 : vector<4000x64xf32>
    %get3A_51 = arith.constant 0 : index
    %get3A_52 = arith.constant 0 : index
    %get3A_53 = vector.load %arg4[%get3A_51, %get3A_52] : memref<64x128xf32, #tpu.memory_space<vmem>>, vector<64x128xf32>
    %dot_general3A = arith.constant dense<0.000000e+00> : vector<4000x128xf32>
    %dot_general3A_54 = tpu.matmul %max3A_50, %get3A_53, %dot_general3A {dimension_numbers = #tpu.dot_dimension_numbers<[1], [0], [0], [1], [0, 0, 1, 1], [], []>, transpose_lhs_hint = false} : vector<4000x64xf32>, vector<64x128xf32>, vector<4000x128xf32> -> vector<4000x128xf32>
    %get3A_55 = arith.constant 0 : index
    %get3A_56 = arith.constant 0 : index
    %get3A_57 = vector.load %arg5[%get3A_55, %get3A_56] : memref<1x128xf32, #tpu.memory_space<vmem>>, vector<1x128xf32>
    %add3A_58 = vector.broadcast %get3A_57 : vector<1x128xf32> to vector<4000x128xf32>
    %add3A_59 = arith.addf %dot_general3A_54, %add3A_58 : vector<4000x128xf32>
    %swap3A = arith.constant 0 : index
    %swap3A_60 = arith.constant 0 : index
    %swap3A_61 = vector.load %arg7[%swap3A, %swap3A_60] : memref<4000x128xf32, #tpu.memory_space<vmem>>, vector<4000x128xf32>
    tpu.vector_store %arg7[%swap3A, %swap3A_60], %add3A_59 {strides = array<i32>} : memref<4000x128xf32, #tpu.memory_space<vmem>>, vector<4000x128xf32>,
    return
  }
  func.func @transform_0(%arg0: i32) -> (i32, i32) {
    %c0_i32 = arith.constant 0 : i32
    %c0_i32_0 = arith.constant 0 : i32
    return %arg0, %c0_i32 : i32, i32
  }
  func.func @transform_1(%arg0: i32) -> (i32, i32) {
    %c0_i32 = arith.constant 0 : i32
    %c0_i32_0 = arith.constant 0 : i32
    %c0_i32_1 = arith.constant 0 : i32
    return %c0_i32, %c0_i32_0 : i32, i32
  }
  func.func @transform_2(%arg0: i32) -> (i32, i32) {
    %c0_i32 = arith.constant 0 : i32
    %c0_i32_0 = arith.constant 0 : i32
    %c0_i32_1 = arith.constant 0 : i32
    return %c0_i32, %c0_i32_0 : i32, i32
  }
  func.func @transform_3(%arg0: i32) -> (i32, i32) {
    %c0_i32 = arith.constant 0 : i32
    %c0_i32_0 = arith.constant 0 : i32
    %c0_i32_1 = arith.constant 0 : i32
    return %c0_i32, %c0_i32_0 : i32, i32
  }
  func.func @transform_4(%arg0: i32) -> (i32, i32) {
    %c0_i32 = arith.constant 0 : i32
    %c0_i32_0 = arith.constant 0 : i32
    %c0_i32_1 = arith.constant 0 : i32
    return %c0_i32, %c0_i32_0 : i32, i32
  }
  func.func @transform_6(%arg0: i32) -> (i32, i32) {
    %c1_i32 = arith.constant 1 : i32
    %c0_i32 = arith.constant 0 : i32
    return %arg0, %c1_i32 : i32, i32
  }
}

</mosaic_0001>

<sc_bundles>
// kernel: kernel.4.cloned.1.call-start
scs
__scs_entry_jumppad:
0x0: {  	(pc) =	sbr.rel $0x88, $3  }
0x1: {  	(tag) =	ssettag $0x0;
	lr =	simm.s32 $0x1  }
0x2: {  	[smem:$0x3F9A] =	sst lr;
	_ =	strace $0xD0000000  }
0x3: {  	_ = 	snop  }
0x4: {  	_ = 	snop  }
0x5: {  	_ = 	snop  }
0x6: {  	_ = 	snop  }
0x7: {  	_ = 	snop  }
__scs_overlays_trampoline_lowered:
0x8: {  	[smem:$0x3FA9] =	sst s0  }
0x9: {  	[smem:$0x3FAA] =	sst s1  }
0xa: {  	[smem:$0x3FAB] =	sst s2  }
0xb: {  	[smem:$0x3FAC] =	sst s3  }
0xc: {  	[smem:$0x3FAD] =	sst s4  }
0xd: {  	[smem:$0x3FAE] =	sst s5  }
0xe: {  	[smem:$0x3FAF] =	sst s6  }
0xf: {  	[smem:$0x3FB0] =	sst s7  }
0x10: {  	[smem:$0x3FB1] =	sst s8  }
0x11: {  	[smem:$0x3FB2] =	sst s9;
	s0 =	simm.s32 @!p0 $0x0  }
0x12: {  	s1 =	sld [smem:$0x3F98];
	s0 =	simm.s32 @p0 $0x1  }
0x13: {  	[smem:$0x3FB3] =	sst s0;
	s0 =	simm.s32 @!p1 $0x0  }
0x14: {  	s2 =	sld [smem:$0x3F97];
	s0 =	simm.s32 @p1 $0x1  }
0x15: {  	[smem:$0x3FB4] =	sst s0;
	s0 =	simm.s32 @!p2 $0x0  }
0x16: {  	s3 =	sld [smem:$0x3FDB];
	s0 =	simm.s32 @p2 $0x1  }
0x17: {  	s4 =	simm.s32 $0x1BF5;
	[smem:$0x3FB6] =	sst s0  }
0x18: {  	s0 =	sld [smem:$0x3F99];
	_ =	swait.ge [sflag:s4], $0x0  }
0x19: {  	s7 =	sld [smem:$0x3F9A]  }
0x1a: {  	s8 =	sadd.s32 $0xFFFFE003, lr  }
0x1b: {  	s9 =	sadd.s32 $0xFFFFFEF7, lr;
	s5 =	simm.s32 $0xFFFFFFFF;
	p2 =	slt.u32 s8, $0xFFFFF086  }
0x1c: {  	p1 =	slt.u32 s9, $0xF7A;
	s5 =	simm.s32 @!p2 $0x0  }
0x1d: {  	s5 =	simm.s32 @p1 $0x1;
	p0 =	seq.s32 s7, s2  }
0x1e: {  	s7 =	smul.u32 @!p0 $0xF7A, s2;
	p2 =	seq.s32 @!p0 s5, $0x0  }
0x1f: {  	s9 =	smul.u32 $0xF7A, s1;
	s8 =	simm.s32 @!p0 $0x1BF5;
	p2 =	por !p2, p0  }
0x20: {  	[sflag:s8] =	ssyncset.s32 @!p0 $0xFFFFF086;
	s6 =	sadd.s32 @!p0 s3, s7;
	s7 =	simm.s32 @!p0 $0x108  }
0x21: {  	s3 =	sadd.s32 s3, s9;
	s6 =	sadd.s32 @!p0 $0x88, s6;
	s7 =	simm.s32 @p2 $0x1082  }
0x22: {  	[simem:s7], [sflag:s8] =	dma.local @!p0 [hbm:s6], $0xF7A  }
0x23: {  	s9 =	sor.u32 $0xD0000000, s2;
	s6 =	simm.s32 $0x108;
	_ =	swait.ge @!p0 [sflag:s8], $0x0  }
0x24: {  	s3 =	sadd.s32 $0x88, s3;
	s6 =	simm.s32 @!p1 $0x1082;
	[sflag:s4] =	ssyncset.s32 $0xFFFFF086  }
0x25: {  	[simem:s6], [sflag:s4] =	dma.local [hbm:s3], $0xF7A  }
0x26: {  	[smem:$0x3F9A] =	sst s1;
	(tag) =	ssettag s2;
	_ =	strace s9  }
0x27: {  	s1 =	sld [smem:$0x3FAA]  }
0x28: {  	s2 =	sld [smem:$0x3FAB]  }
0x29: {  	s4 =	sld [smem:$0x3FAD]  }
0x2a: {  	p0 =	seq.s32 s5, $0x0;
	s5 =	sld [smem:$0x3FAE]  }
0x2b: {  	s6 =	sld [smem:$0x3FAF]  }
0x2c: {  	s7 =	sld [smem:$0x3FB0]  }
0x2d: {  	s3 =	simm.s32 $0x108;
	s8 =	sld [smem:$0x3FB1]  }
0x2e: {  	s3 =	simm.s32 @!p0 $0x1082;
	s9 =	sld [smem:$0x3FB2]  }
0x2f: {  	lr =	sadd.s32 s0, s3;
	s0 =	sld [smem:$0x3FA9]  }
0x30: {  	s3 =	sld [smem:$0x3FAC]  }
0x31: {  	[smem:$0x3FB5] =	sst s10  }
0x32: {  	s10 =	sld [smem:$0x3FB3];
	_ =	sdelay $0x3  }
0x33: {  	p0 =	seq.s32 s10, $0x1;
	s10 =	sld [smem:$0x3FB5];
	_ =	sdelay $0x3  }
0x34: {  	[smem:$0x3FB5] =	sst s10  }
0x35: {  	s10 =	sld [smem:$0x3FB4];
	_ =	sdelay $0x3  }
0x36: {  	p1 =	seq.s32 s10, $0x1;
	s10 =	sld [smem:$0x3FB5];
	_ =	sdelay $0x3  }
0x37: {  	[smem:$0x3FB5] =	sst s10  }
0x38: {  	s10 =	sld [smem:$0x3FB6]  }
0x39: {  	_ = 	snop;
	(pc) =	sbr.ind lr, $3  }
0x3a: {  	_ = 	snop  }
0x3b: {  	_ = 	snop  }
0x3c: {  	p2 =	seq.s32 s10, $0x1;
	s10 =	sld [smem:$0x3FB5]  }
0x3d: {  	_ =	shalt  }
0x3e: {  	_ =	shalt  }
0x3f: {  	_ =	shalt  }
0x40: {  	_ =	shalt  }
0x41: {  	_ =	shalt  }
0x42: {  	_ =	shalt  }
0x43: {  	_ =	shalt  }
0x44: {  	_ =	shalt  }
0x45: {  	_ =	shalt  }
0x46: {  	_ =	shalt  }
0x47: {  	_ =	shalt  }
0x48: {  	_ =	shalt  }
0x49: {  	_ =	shalt  }
0x4a: {  	_ =	shalt  }
0x4b: {  	_ =	shalt  }
0x4c: {  	_ =	shalt  }
0x4d: {  	_ =	shalt  }
0x4e: {  	_ =	shalt  }
0x4f: {  	_ =	shalt  }
0x50: {  	_ =	shalt  }
0x51: {  	_ =	shalt  }
0x52: {  	_ =	shalt  }
0x53: {  	_ =	shalt  }
0x54: {  	_ =	shalt  }
0x55: {  	_ =	shalt  }
0x56: {  	_ =	shalt  }
0x57: {  	_ =	shalt  }
0x58: {  	_ =	shalt  }
0x59: {  	_ =	shalt  }
0x5a: {  	_ =	shalt  }
0x5b: {  	_ =	shalt  }
0x5c: {  	_ =	shalt  }
0x5d: {  	_ =	shalt  }
0x5e: {  	_ =	shalt  }
0x5f: {  	_ =	shalt  }
0x60: {  	_ =	shalt  }
0x61: {  	_ =	shalt  }
0x62: {  	_ =	shalt  }
0x63: {  	_ =	shalt  }
0x64: {  	_ =	shalt  }
0x65: {  	_ =	shalt  }
0x66: {  	_ =	shalt  }
0x67: {  	_ =	shalt  }
0x68: {  	_ =	shalt  }
0x69: {  	_ =	shalt  }
0x6a: {  	_ =	shalt  }
0x6b: {  	_ =	shalt  }
0x6c: {  	_ =	shalt  }
0x6d: {  	_ =	shalt  }
0x6e: {  	_ =	shalt  }
0x6f: {  	_ =	shalt  }
0x70: {  	_ =	shalt  }
0x71: {  	_ =	shalt  }
0x72: {  	_ =	shalt  }
0x73: {  	_ =	shalt  }
0x74: {  	_ =	shalt  }
0x75: {  	_ =	shalt  }
0x76: {  	_ =	shalt  }
0x77: {  	_ =	shalt  }
0x78: {  	_ =	shalt  }
0x79: {  	_ =	shalt  }
0x7a: {  	_ =	shalt  }
0x7b: {  	_ =	shalt  }
0x7c: {  	_ =	shalt  }
0x7d: {  	_ =	shalt  }
0x7e: {  	_ =	shalt  }
0x7f: {  	_ =	shalt  }
0x80: {  	_ =	shalt  }
0x81: {  	_ =	shalt  }
0x82: {  	_ =	shalt  }
0x83: {  	_ =	shalt  }
0x84: {  	_ =	shalt  }
0x85: {  	_ =	shalt  }
0x86: {  	_ =	shalt  }
0x87: {  	_ =	shalt  }
.Lfunc_end0:
.L_simem_size_0:
called_computation_lowered:
.L_overlay_start_0:
0x88: {  	s2 =	sld [smem:$0x3FD9]  }
0x89: {  	s3 =	sld [smem:$0x3FFE];
	_ =	sdelay $0x1  }
0x8a: {  	s1 =	srdreg.scid  }
0x8b: {  	s0 =	sand.u32 $0x1, s1  }
0x8c: {  	s17 =	sshll.u32 s0, $0xA;
	s2 =	sadd.s32 s3, s2  }
0x8d: {  	s2 =	sadd.s32 s2, s17  }
0x8e: {  	[smem:$0x3FC1] =	sst s2  }
0x8f: {  	_ = 	snop  }
0x90: {  	s2 =	sld [smem:$0x3FC9]  }
0x91: {  	s18 =	sld [smem:$0x3FD0];
	(tm) =	ssettm $0x1  }
0x92: {  	s4 =	sld [smem:$0x3FFB];
	_ =	sdelay $0x3  }
0x93: {  	_ =	strace s4  }
0x94: {  	s4 =	sld [smem:$0x3FFC];
	_ =	sdelay $0x3  }
0x95: {  	_ =	strace s4  }
0x96: {  	s4 =	sld [smem:$0x3FFD];
	_ =	sdelay $0x3  }
0x97: {  	_ =	strace s4  }
0x98: {  	_ =	strace $0x8FFFFFFF  }
0x99: {  	s19 =	sld [smem:$0x3FDB];
	_ =	sdelay $0x1  }
0x9a: {  	s5 =	simm.s32 $_scs_section_size  }
0x9b: {  	s6 =	simm.s32 $_size__tile_overlayer_lowered;
	s7 =	simm.s32 $_tile_overlayer_lowered  }
0x9c: {  	s22 =	simm.s32 $0x1BFF;
	s21 =	sshll.u32 s7, $0x1;
	s4 =	sadd.s32 s5, s19  }
0x9d: {  	s8 =	simm.s32 $0x0;
	s20 =	sshll.u32 s6, $0x1;
	s6 =	sadd.s32 s21, s4  }
0x9e: {  	[timem:s8], [sflag:s22] =	dma.local [hbm:s6], s20  }
0x9f: {  	_ =	swait.ge [sflag:s22], s20  }
0xa0: {  	s5 =	ssub.s32 $0x0, s20;
	[sflag:s22] =	ssyncset.done $0x0  }
0xa1: {  	[sflag:s22] =	ssyncadd.s32 s5;
	_ =	sdelay $0x1  }
0xa2: {  	s23 =	simm.s32 $0x1B8B  }
0xa3: {  	_ =	swait.ge [sflag:s23], $0x1  }
0xa4: {  	[sflag:s23] =	ssyncset.done $0x0  }
0xa5: {  	s25 =	simm.s32 $0x1B8E;
	s24 =	sld [smem:$0x3FFE];
	[sflag:s23] =	ssyncadd.s32 $0xFFFFFFFF  }
0xa6: {  	s26 =	simm.s32 $execute0_lowered;
	[smem:$0x3FD2] =	sst s25  }
0xa7: {  	s6 =	sshll.u32 s26, $0x1;
	_ =	strace $0x80000046;
	[dreg:$0x1] =	wrdreg $0xFFFFFFFF  }
0xa8: {  	s28 =	simm.s32 $_size_execute0_lowered;
	s4 =	sadd.s32 s4, s6;
	[dreg:$0x0] =	wrdreg $0x0  }
0xa9: {  	s6 =	sshll.u32 s28, $0x1;
	[dreg:$0x2] =	wrdreg s4  }
0xaa: {  	[dreg:$0x3] =	wrdreg s6  }
0xab: {  	[dreg:$0x4] =	wrdreg $0xC0  }
0xac: {  	_ =	task [dreg:s8], $0x5FFFF  }
0xad: {  	[dreg:$0x1] =	wrdreg $0xFFFFFFFF  }
0xae: {  	[dreg:$0x0] =	wrdreg $0x60  }
0xaf: {  	[dreg:$0x2] =	wrdreg s2  }
0xb0: {  	[dreg:$0x3] =	wrdreg s24  }
0xb1: {  	[dreg:$0x4] =	wrdreg s18  }
0xb2: {  	[dreg:$0x5] =	wrdreg $0x9  }
0xb3: {  	_ =	task.clear_ibuf [dreg:s8], $0x6FFFF;
	_ =	strace $0x90000046  }
0xb4: {  	s29 =	simm.s32 $0x9;
	_ =	strace $0x80000048  }
0xb5: {  	_ =	swait.ge [sflag:s29], $0x1  }
0xb6: {  	[sflag:s29] =	ssyncadd.s32 $0xFFFFFFFF  }
0xb7: {  	_ =	strace $0x90000048  }
0xb8: {  	_ =	sfence  }
0xb9: {  	s30 =	sld [smem:$0x0];
	_ =	sdelay $0x2  }
0xba: {  	s31 =	sshll.u32 s1, $0xD;
	s1 =	sshrl.u32 s1, $0x2  }
0xbb: {  	s3 =	sand.u32 $0x4000, s31;
	s1 =	sadd.s32 s1, s30  }
0xbc: {  	s0 =	sor.u32 s3, s0;
	s1 =	sshll.u32 s1, $0x11  }
0xbd: {  	s0 =	sor.u32 s1, s0  }
0xbe: {  	s0 =	sadd.s32 $0x8F2B, s0  }
0xbf: {  	[sflag:s0] =	ssyncadd.remote.s32 $0x1  }
0xc0: {  	_ =	sfence.sel $0xFFFF  }
0xc1: {  	[dreg:$0x0] =	wrdreg $0xFFFFFFFF;
	(pc) =	sbr.abs _section_cstart, $3  }
0xc2: {  	[dreg:$0x1] =	wrdreg $0xFFFFFFFF  }
0xc3: {  	_ =	task.clear_ibuf [dreg:s8], $0x2FFFF;
	_ =	strace $0x9FFFFFFF  }
0xc4: {  	(tm) =	ssettm $0x7FFFFFFF  }
0xc5: {  	_ =	shalt  }
tec
execute0_lowered:
.L_overlay_start_1:
0x0: {  	(tag) =	ssettag $0x1  }
0x1: {  	v0 =	vlaneseq.u32  }
0x2: {  	v0 =	vmul.u32 $0x80, v0;
	_ =	sdelay $0x1  }
0x3: {  	v4 =	vor.u32 $0x1, v0;
	v5 =	vor.u32 $0x2, v0;
	v6 =	vor.u32 $0x3, v0  }
0x4: {  	v7 =	vor.u32 $0x800, v0;
	v8 =	vor.u32 $0x801, v0;
	v9 =	vor.u32 $0x802, v0  }
0x5: {  	v10 =	vor.u32 $0x803, v0;
	v11 =	vor.u32 $0x1000, v0;
	v12 =	vor.u32 $0x1001, v0  }
0x6: {  	v13 =	vor.u32 $0x1002, v0;
	v14 =	vor.u32 $0x1003, v0;
	v15 =	vor.u32 $0x1800, v0  }
0x7: {  	v16 =	vor.u32 $0x1801, v0;
	v17 =	vor.u32 $0x1802, v0;
	v18 =	vor.u32 $0x1803, v0  }
0x8: {  	s0 =	rddreg [dreg:$0x0];
	v19 =	vor.u32 $0x2000, v0;
	v20 =	vor.u32 $0x2001, v0;
	v21 =	vor.u32 $0x2002, v0  }
0x9: {  	s1 =	rddreg [dreg:$0x1];
	v22 =	vor.u32 $0x2003, v0;
	v23 =	vor.u32 $0x2800, v0;
	v24 =	vor.u32 $0x2801, v0  }
0xa: {  	s3 =	srdreg.scid;
	s2 =	stileid.u32;
	v25 =	vor.u32 $0x2802, v0;
	v26 =	vor.u32 $0x2803, v0;
	v27 =	vor.u32 $0x3000, v0  }
0xb: {  	s7 =	rddreg [dreg:$0x2];
	s4 =	simm.s32 $0x0;
	s5 =	smul.u32 $0xC800, s2;
	v28 =	vor.u32 $0x3001, v0;
	v29 =	vor.u32 $0x3002, v0;
	v30 =	vor.u32 $0x3003, v0  }
0xc: {  	s14 =	simm.s32 $0x1;
	s15 =	simm.s32 $0x800;
	s9 =	smul.u32 $0x4E200, s2;
	v31 =	vor.u32 $0x3800, v0;
	v32 =	vor.u32 $0x3801, v0;
	v33 =	vor.u32 $0x3802, v0  }
0xd: {  	s16 =	simm.s32 $0x2;
	s8 =	sand.u32 $0x1, s3;
	s13 =	smul.u32 $0x9C400, s2;
	v34 =	vor.u32 $0x3803, v0;
	v35 =	vor.u32 $0x4000, v0;
	v36 =	vor.u32 $0x4001, v0  }
0xe: {  	s17 =	simm.s32 $0x3;
	s3 =	rddreg [dreg:$0x3];
	s6 =	smul.u32 $0x6400, s8;
	v37 =	vor.u32 $0x4002, v0;
	v38 =	vor.u32 $0x4003, v0;
	v39 =	vor.u32 $0x4800, v0  }
0xf: {  	s18 =	simm.s32 $0x0;
	[smem:$0x7FF] =	sst s4;
	s30 =	smul.u32 $0x27100, s8;
	v40 =	vor.u32 $0x4801, v0;
	v41 =	vor.u32 $0x4802, v0;
	v42 =	vor.u32 $0x4803, v0  }
0x10: {  	_ =	strace $0x80000047;
	s10 =	ssub.s32 $0x2, s8;
	s8 =	smul.u32 $0x4E200, s8;
	v43 =	vor.u32 $0x5000, v0;
	v44 =	vor.u32 $0x5001, v0;
	v45 =	vor.u32 $0x5002, v0  }
0x11: {  	s29 =	sshrl.u32 s10, $0x1;
	s9 =	sadd.s32 s9, s1;
	v46 =	vor.u32 $0x5003, v0;
	v47 =	vor.u32 $0x5800, v0;
	v48 =	vor.u32 $0x5801, v0;
	s31 =	sadd.s32 s13, s7  }
0x12: {  	v49 =	vor.u32 $0x5802, v0;
	v50 =	vor.u32 $0x5803, v0;
	v51 =	vor.u32 $0x6000, v0;
	s13 =	simm.s32 $0xD000;
	s5 =	sadd.s32 s6, s5;
	s9 =	sadd.s32 s30, s9  }
0x13: {  	v52 =	vor.u32 $0x6001, v0;
	v53 =	vor.u32 $0x6002, v0;
	v1 =	vor.u32 $0x7801, v0;
	s8 =	sadd.s32 s8, s31;
	s6 =	sshrl.u32 s5, $0x3;
	s5 =	sadd.s32 $0x600, s1  }
0x14: {  	v54 =	vor.u32 $0x6003, v0;
	v55 =	vor.u32 $0x6800, v0;
	v63 =	vor.u32 $0x7800, v0;
	[tilespmem:$0x1FFC0] =	vst v1;
	s7 =	sadd.s32 $0x32C00, s9;
	s9 =	simm.s32 $0x19800;
	s11 =	sadd.s32 s6, s1  }
0x15: {  	v56 =	vor.u32 $0x6801, v0;
	v57 =	vor.u32 $0x6802, v0;
	v1 =	vor.u32 $0x7802, v0;
	[tilespmem:$0x1FFF0] =	vst v63;
	s6 =	ssub.s32 s10, s29;
	s10 =	simm.s32 $0x4;
	s12 =	sadd.s32 $0xC00, s11  }
0x16: {  	v58 =	vor.u32 $0x6803, v0;
	v59 =	vor.u32 $0x7000, v0;
	[tilespmem:$0x1FFD0] =	vst v1;
	v1 =	vor.u32 $0x7803, v0;
	s6 =	smax.u32 s6, $0x1;
	s11 =	sadd.s32 $0x19C00, s11;
	[dreg:$0x5] =	wrdreg s12  }
0x17: {  	v60 =	vor.u32 $0x7001, v0;
	v61 =	vor.u32 $0x7002, v0;
	v62 =	vor.u32 $0x7003, v0;
	[tilespmem:$0x1FFE0] =	vst v1;
	[dreg:$0x4] =	wrdreg s11;
	s11 =	simm.s32 $0x1BF80;
	s12 =	simm.s32 $0x400  }
.LBB2_1:
0x18: {  	[tilespmem:s9], [sflag:$0x4] =	stream.linear.gather [hbm4b:s5+s4], $0x2780, $0x38;
	[tilespmem:$0x1E700] =	vst v63  }
0x19: {  	_ =	swait.ge [sflag:s10], $0x2780  }
0x1a: {  	[sflag:s10] =	ssyncset.done $0x0  }
0x1b: {  	[sflag:s10] =	ssyncadd.s32 $0xFFFFD880  }
0x1c: {  	[tilespmem:s11], [sflag:$0x4] =	stream.linear.gather [hbm4b:s1+s4], $0x2780, $0x38;
	[tilespmem:$0x1E700] =	vst v63  }
0x1d: {  	_ =	swait.ge [sflag:s10], $0x2780  }
0x1e: {  	s19 =	smov.u32 s8;
	[sflag:s10] =	ssyncset.done $0x0  }
0x1f: {  	s20 =	smov.u32 s7;
	s21 =	simm.s32 $0x0;
	[sflag:s10] =	ssyncadd.s32 $0xFFFFD880  }
.LBB2_2:
0x20: {  	s22 =	rddreg [dreg:$0x4]  }
0x21: {  	s22 =	sadd.s32 s21, s22  }
0x22: {  	[tilespmem:s4], [sflag:$0x4] =	stream.linear.gather [hbm4b:s22+s4], $0x280, $0x38;
	[tilespmem:$0x1E700] =	vst v63  }
0x23: {  	_ =	swait.ge [sflag:s10], $0x280  }
0x24: {  	s31 =	rddreg [dreg:$0x5];
	[sflag:s10] =	ssyncset.done $0x0  }
0x25: {  	[sflag:s10] =	ssyncadd.s32 $0xFFFFFD80;
	s22 =	sadd.s32 s21, s31  }
0x26: {  	[tilespmem:s12], [sflag:$0x4] =	stream.linear.gather [hbm4b:s22+s4], $0x280, $0x38;
	[tilespmem:$0x1E700] =	vst v63  }
0x27: {  	p0 =	seq.s32 s21, $0x0;
	_ =	swait.ge [sflag:s10], $0x280  }
0x28: {  	s23 =	simm.s32 @p0 $0x400;
	[sflag:s10] =	ssyncset.done $0x0  }
0x29: {  	s24 =	simm.s32 @p0 $0x800;
	s22 =	simm.s32 @p0 $0x50;
	[sflag:s10] =	ssyncadd.s32 $0xFFFFFD80  }
0x2a: {  	[tilespmem:s24], [sflag:$0x1] =	stream.indirect.gather @p0 [hbm4b:s0+s22], $0x80, s23, s22, $0xb8;
	[tilespmem:$0x1E700] =	vst v63  }
0x2b: {  	s23 =	simm.s32 @p0 $0x480;
	s24 =	simm.s32 @p0 $0x3000  }
0x2c: {  	[tilespmem:s24], [sflag:$0x1] =	stream.indirect.gather @p0 [hbm4b:s0+s22], $0x80, s23, s22, $0xb8;
	[tilespmem:$0x1E700] =	vst v63  }
0x2d: {  	s23 =	simm.s32 @p0 $0x500;
	s24 =	simm.s32 @p0 $0x5800  }
0x2e: {  	[tilespmem:s24], [sflag:$0x1] =	stream.indirect.gather @p0 [hbm4b:s0+s22], $0x80, s23, s22, $0xb8;
	[tilespmem:$0x1E700] =	vst v63  }
0x2f: {  	s23 =	simm.s32 @p0 $0x580;
	s24 =	simm.s32 @p0 $0x8000  }
0x30: {  	[tilespmem:s24], [sflag:$0x1] =	stream.indirect.gather @p0 [hbm4b:s0+s22], $0x80, s23, s22, $0xb8;
	[tilespmem:$0x1E700] =	vst v63  }
0x31: {  	s23 =	simm.s32 @p0 $0x600;
	s24 =	simm.s32 @p0 $0xA800  }
0x32: {  	[tilespmem:s24], [sflag:$0x1] =	stream.indirect.gather @p0 [hbm4b:s0+s22], $0x80, s23, s22, $0xb8;
	[tilespmem:$0x1E700] =	vst v63  }
0x33: {  	s22 =	simm.s32 @!p0 $0x2  }
0x34: {  	_ =	swait.ge @!p0 [sflag:s22], $0xC800  }
0x35: {  	s23 =	simm.s32 @!p0 $0x400;
	[sflag:s22] =	ssyncset.done @!p0 $0x0  }
0x36: {  	s24 =	simm.s32 @!p0 $0x800;
	[sflag:s22] =	ssyncadd.s32 @!p0 $0xFFFF3800;
	s22 =	simm.s32 @!p0 $0x50  }
0x37: {  	[tilespmem:s24], [sflag:$0x1] =	stream.indirect.gather @!p0 [hbm4b:s0+s22], $0x80, s23, s22, $0xb8;
	[tilespmem:$0x1E700] =	vst v63  }
0x38: {  	s23 =	simm.s32 @!p0 $0x480;
	s24 =	simm.s32 @!p0 $0x3000  }
0x39: {  	[tilespmem:s24], [sflag:$0x1] =	stream.indirect.gather @!p0 [hbm4b:s0+s22], $0x80, s23, s22, $0xb8;
	[tilespmem:$0x1E700] =	vst v63  }
0x3a: {  	s23 =	simm.s32 @!p0 $0x500;
	s24 =	simm.s32 @!p0 $0x5800  }
0x3b: {  	[tilespmem:s24], [sflag:$0x1] =	stream.indirect.gather @!p0 [hbm4b:s0+s22], $0x80, s23, s22, $0xb8;
	[tilespmem:$0x1E700] =	vst v63  }
0x3c: {  	s23 =	simm.s32 @!p0 $0x580;
	s24 =	simm.s32 @!p0 $0x8000  }
0x3d: {  	[tilespmem:s24], [sflag:$0x1] =	stream.indirect.gather @!p0 [hbm4b:s0+s22], $0x80, s23, s22, $0xb8;
	[tilespmem:$0x1E700] =	vst v63  }
0x3e: {  	s23 =	simm.s32 @!p0 $0x600;
	s24 =	simm.s32 @!p0 $0xA800  }
0x3f: {  	[tilespmem:s24], [sflag:$0x1] =	stream.indirect.gather @!p0 [hbm4b:s0+s22], $0x80, s23, s22, $0xb8;
	[tilespmem:$0x1E700] =	vst v63  }
0x40: {  	s22 =	simm.s32 @!p0 $0x3  }
0x41: {  	_ =	swait.ge @!p0 [sflag:s22], $0xC800  }
0x42: {  	[sflag:s22] =	ssyncset.done @!p0 $0x0  }
0x43: {  	[sflag:s22] =	ssyncadd.s32 @!p0 $0xFFFF3800  }
0x44: {  	v1 =	vld [tilespmem:$0x0];
	_ =	sdelay $0x7  }
0x45: {  	v2 =	vld.idx.msk [tilespmem:v1+s9+$0x0], $0xffff;
	_ =	sdelay $0x3  }
0x46: {  	v3 =	vld [tilespmem:$0x400]  }
0x47: {  	[tilespmem:v0+s13+$0x0] =	vst.idx.msk $0xffff, v2  }
0x48: {  	v1 =	vld.idx.msk [tilespmem:v1+s11+$0x0], $0xffff;
	_ =	sdelay $0x4  }
0x49: {  	[tilespmem:v4+s13+$0x0] =	vst.idx.msk $0xffff, v1  }
0x4a: {  	v1 =	vld.idx.msk [tilespmem:v3+s9+$0x0], $0xffff;
	_ =	sdelay $0x4  }
0x4b: {  	[tilespmem:v5+s13+$0x0] =	vst.idx.msk $0xffff, v1  }
0x4c: {  	v1 =	vld.idx.msk [tilespmem:v3+s11+$0x0], $0xffff;
	_ =	sdelay $0x4  }
0x4d: {  	[tilespmem:v6+s13+$0x0] =	vst.idx.msk $0xffff, v1  }
0x4e: {  	v1 =	vld [tilespmem:$0x10];
	_ =	sdelay $0x7  }
0x4f: {  	v2 =	vld.idx.msk [tilespmem:v1+s9+$0x0], $0xffff;
	_ =	sdelay $0x3  }
0x50: {  	v3 =	vld [tilespmem:$0x410]  }
0x51: {  	[tilespmem:v7+s13+$0x0] =	vst.idx.msk $0xffff, v2  }
0x52: {  	v1 =	vld.idx.msk [tilespmem:v1+s11+$0x0], $0xffff;
	_ =	sdelay $0x4  }
0x53: {  	[tilespmem:v8+s13+$0x0] =	vst.idx.msk $0xffff, v1  }
0x54: {  	v1 =	vld.idx.msk [tilespmem:v3+s9+$0x0], $0xffff;
	_ =	sdelay $0x4  }
0x55: {  	[tilespmem:v9+s13+$0x0] =	vst.idx.msk $0xffff, v1  }
0x56: {  	v1 =	vld.idx.msk [tilespmem:v3+s11+$0x0], $0xffff;
	_ =	sdelay $0x4  }
0x57: {  	[tilespmem:v10+s13+$0x0] =	vst.idx.msk $0xffff, v1  }
0x58: {  	v1 =	vld [tilespmem:$0x20];
	_ =	sdelay $0x7  }
0x59: {  	v2 =	vld.idx.msk [tilespmem:v1+s9+$0x0], $0xffff;
	_ =	sdelay $0x3  }
0x5a: {  	v3 =	vld [tilespmem:$0x420]  }
0x5b: {  	[tilespmem:v11+s13+$0x0] =	vst.idx.msk $0xffff, v2  }
0x5c: {  	v1 =	vld.idx.msk [tilespmem:v1+s11+$0x0], $0xffff;
	_ =	sdelay $0x4  }
0x5d: {  	[tilespmem:v12+s13+$0x0] =	vst.idx.msk $0xffff, v1  }
0x5e: {  	v1 =	vld.idx.msk [tilespmem:v3+s9+$0x0], $0xffff;
	_ =	sdelay $0x4  }
0x5f: {  	[tilespmem:v13+s13+$0x0] =	vst.idx.msk $0xffff, v1  }
0x60: {  	v1 =	vld.idx.msk [tilespmem:v3+s11+$0x0], $0xffff;
	_ =	sdelay $0x4  }
0x61: {  	[tilespmem:v14+s13+$0x0] =	vst.idx.msk $0xffff, v1  }
0x62: {  	v1 =	vld [tilespmem:$0x30];
	_ =	sdelay $0x7  }
0x63: {  	v2 =	vld.idx.msk [tilespmem:v1+s9+$0x0], $0xffff;
	_ =	sdelay $0x3  }
0x64: {  	v3 =	vld [tilespmem:$0x430]  }
0x65: {  	[tilespmem:v15+s13+$0x0] =	vst.idx.msk $0xffff, v2  }
0x66: {  	v1 =	vld.idx.msk [tilespmem:v1+s11+$0x0], $0xffff;
	_ =	sdelay $0x4  }
0x67: {  	[tilespmem:v16+s13+$0x0] =	vst.idx.msk $0xffff, v1  }
0x68: {  	v1 =	vld.idx.msk [tilespmem:v3+s9+$0x0], $0xffff;
	_ =	sdelay $0x4  }
0x69: {  	[tilespmem:v17+s13+$0x0] =	vst.idx.msk $0xffff, v1  }
0x6a: {  	v1 =	vld.idx.msk [tilespmem:v3+s11+$0x0], $0xffff;
	_ =	sdelay $0x4  }
0x6b: {  	[tilespmem:v18+s13+$0x0] =	vst.idx.msk $0xffff, v1  }
0x6c: {  	v1 =	vld [tilespmem:$0x40];
	_ =	sdelay $0x7  }
0x6d: {  	v2 =	vld.idx.msk [tilespmem:v1+s9+$0x0], $0xffff;
	_ =	sdelay $0x3  }
0x6e: {  	v3 =	vld [tilespmem:$0x440]  }
0x6f: {  	[tilespmem:v19+s13+$0x0] =	vst.idx.msk $0xffff, v2  }
0x70: {  	v1 =	vld.idx.msk [tilespmem:v1+s11+$0x0], $0xffff;
	_ =	sdelay $0x4  }
0x71: {  	[tilespmem:v20+s13+$0x0] =	vst.idx.msk $0xffff, v1  }
0x72: {  	v1 =	vld.idx.msk [tilespmem:v3+s9+$0x0], $0xffff;
	_ =	sdelay $0x4  }
0x73: {  	[tilespmem:v21+s13+$0x0] =	vst.idx.msk $0xffff, v1  }
0x74: {  	v1 =	vld.idx.msk [tilespmem:v3+s11+$0x0], $0xffff;
	_ =	sdelay $0x4  }
0x75: {  	[tilespmem:v22+s13+$0x0] =	vst.idx.msk $0xffff, v1  }
0x76: {  	v1 =	vld [tilespmem:$0x80];
	_ =	sdelay $0x7  }
0x77: {  	v2 =	vld.idx.msk [tilespmem:v1+s9+$0x0], $0xffff;
	_ =	sdelay $0x3  }
0x78: {  	v3 =	vld [tilespmem:$0x480]  }
0x79: {  	[tilespmem:v23+s13+$0x0] =	vst.idx.msk $0xffff, v2  }
0x7a: {  	v1 =	vld.idx.msk [tilespmem:v1+s11+$0x0], $0xffff;
	_ =	sdelay $0x4  }
0x7b: {  	[tilespmem:v24+s13+$0x0] =	vst.idx.msk $0xffff, v1  }
0x7c: {  	v1 =	vld.idx.msk [tilespmem:v3+s9+$0x0], $0xffff;
	_ =	sdelay $0x4  }
0x7d: {  	[tilespmem:v25+s13+$0x0] =	vst.idx.msk $0xffff, v1  }
0x7e: {  	v1 =	vld.idx.msk [tilespmem:v3+s11+$0x0], $0xffff;
	_ =	sdelay $0x4  }
0x7f: {  	[tilespmem:v26+s13+$0x0] =	vst.idx.msk $0xffff, v1  }
0x80: {  	v1 =	vld [tilespmem:$0x90];
	_ =	sdelay $0x7  }
0x81: {  	v2 =	vld.idx.msk [tilespmem:v1+s9+$0x0], $0xffff;
	_ =	sdelay $0x3  }
0x82: {  	v3 =	vld [tilespmem:$0x490]  }
0x83: {  	[tilespmem:v27+s13+$0x0] =	vst.idx.msk $0xffff, v2  }
0x84: {  	v1 =	vld.idx.msk [tilespmem:v1+s11+$0x0], $0xffff;
	_ =	sdelay $0x4  }
0x85: {  	[tilespmem:v28+s13+$0x0] =	vst.idx.msk $0xffff, v1  }
0x86: {  	v1 =	vld.idx.msk [tilespmem:v3+s9+$0x0], $0xffff;
	_ =	sdelay $0x4  }
0x87: {  	[tilespmem:v29+s13+$0x0] =	vst.idx.msk $0xffff, v1  }
0x88: {  	v1 =	vld.idx.msk [tilespmem:v3+s11+$0x0], $0xffff;
	_ =	sdelay $0x4  }
0x89: {  	[tilespmem:v30+s13+$0x0] =	vst.idx.msk $0xffff, v1  }
0x8a: {  	v1 =	vld [tilespmem:$0xA0];
	_ =	sdelay $0x7  }
0x8b: {  	v2 =	vld.idx.msk [tilespmem:v1+s9+$0x0], $0xffff;
	_ =	sdelay $0x3  }
0x8c: {  	v3 =	vld [tilespmem:$0x4A0]  }
0x8d: {  	[tilespmem:v31+s13+$0x0] =	vst.idx.msk $0xffff, v2  }
0x8e: {  	v1 =	vld.idx.msk [tilespmem:v1+s11+$0x0], $0xffff;
	_ =	sdelay $0x4  }
0x8f: {  	[tilespmem:v32+s13+$0x0] =	vst.idx.msk $0xffff, v1  }
0x90: {  	v1 =	vld.idx.msk [tilespmem:v3+s9+$0x0], $0xffff;
	_ =	sdelay $0x4  }
0x91: {  	[tilespmem:v33+s13+$0x0] =	vst.idx.msk $0xffff, v1  }
0x92: {  	v1 =	vld.idx.msk [tilespmem:v3+s11+$0x0], $0xffff;
	_ =	sdelay $0x4  }
0x93: {  	[tilespmem:v34+s13+$0x0] =	vst.idx.msk $0xffff, v1  }
0x94: {  	v1 =	vld [tilespmem:$0xB0];
	_ =	sdelay $0x7  }
0x95: {  	v2 =	vld.idx.msk [tilespmem:v1+s9+$0x0], $0xffff;
	_ =	sdelay $0x3  }
0x96: {  	v3 =	vld [tilespmem:$0x4B0]  }
0x97: {  	[tilespmem:v35+s13+$0x0] =	vst.idx.msk $0xffff, v2  }
0x98: {  	v1 =	vld.idx.msk [tilespmem:v1+s11+$0x0], $0xffff;
	_ =	sdelay $0x4  }
0x99: {  	[tilespmem:v36+s13+$0x0] =	vst.idx.msk $0xffff, v1  }
0x9a: {  	v1 =	vld.idx.msk [tilespmem:v3+s9+$0x0], $0xffff;
	_ =	sdelay $0x4  }
0x9b: {  	[tilespmem:v37+s13+$0x0] =	vst.idx.msk $0xffff, v1  }
0x9c: {  	v1 =	vld.idx.msk [tilespmem:v3+s11+$0x0], $0xffff;
	_ =	sdelay $0x4  }
0x9d: {  	[tilespmem:v38+s13+$0x0] =	vst.idx.msk $0xffff, v1  }
0x9e: {  	v1 =	vld [tilespmem:$0xC0];
	_ =	sdelay $0x7  }
0x9f: {  	v2 =	vld.idx.msk [tilespmem:v1+s9+$0x0], $0xffff;
	_ =	sdelay $0x3  }
0xa0: {  	v3 =	vld [tilespmem:$0x4C0]  }
0xa1: {  	[tilespmem:v39+s13+$0x0] =	vst.idx.msk $0xffff, v2  }
0xa2: {  	v1 =	vld.idx.msk [tilespmem:v1+s11+$0x0], $0xffff;
	_ =	sdelay $0x4  }
0xa3: {  	[tilespmem:v40+s13+$0x0] =	vst.idx.msk $0xffff, v1  }
0xa4: {  	v1 =	vld.idx.msk [tilespmem:v3+s9+$0x0], $0xffff;
	_ =	sdelay $0x4  }
0xa5: {  	[tilespmem:v41+s13+$0x0] =	vst.idx.msk $0xffff, v1  }
0xa6: {  	v1 =	vld.idx.msk [tilespmem:v3+s11+$0x0], $0xffff;
	_ =	sdelay $0x4  }
0xa7: {  	[tilespmem:v42+s13+$0x0] =	vst.idx.msk $0xffff, v1  }
0xa8: {  	v1 =	vld [tilespmem:$0x100];
	_ =	sdelay $0x7  }
0xa9: {  	v2 =	vld.idx.msk [tilespmem:v1+s9+$0x0], $0xffff;
	_ =	sdelay $0x3  }
0xaa: {  	v3 =	vld [tilespmem:$0x500]  }
0xab: {  	[tilespmem:v43+s13+$0x0] =	vst.idx.msk $0xffff, v2  }
0xac: {  	v1 =	vld.idx.msk [tilespmem:v1+s11+$0x0], $0xffff;
	_ =	sdelay $0x4  }
0xad: {  	[tilespmem:v44+s13+$0x0] =	vst.idx.msk $0xffff, v1  }
0xae: {  	v1 =	vld.idx.msk [tilespmem:v3+s9+$0x0], $0xffff;
	_ =	sdelay $0x4  }
0xaf: {  	[tilespmem:v45+s13+$0x0] =	vst.idx.msk $0xffff, v1  }
0xb0: {  	v1 =	vld.idx.msk [tilespmem:v3+s11+$0x0], $0xffff;
	_ =	sdelay $0x4  }
0xb1: {  	[tilespmem:v46+s13+$0x0] =	vst.idx.msk $0xffff, v1  }
0xb2: {  	v1 =	vld [tilespmem:$0x110];
	_ =	sdelay $0x7  }
0xb3: {  	v2 =	vld.idx.msk [tilespmem:v1+s9+$0x0], $0xffff;
	_ =	sdelay $0x3  }
0xb4: {  	v3 =	vld [tilespmem:$0x510]  }
0xb5: {  	[tilespmem:v47+s13+$0x0] =	vst.idx.msk $0xffff, v2  }
0xb6: {  	v1 =	vld.idx.msk [tilespmem:v1+s11+$0x0], $0xffff;
	_ =	sdelay $0x4  }
0xb7: {  	[tilespmem:v48+s13+$0x0] =	vst.idx.msk $0xffff, v1  }
0xb8: {  	v1 =	vld.idx.msk [tilespmem:v3+s9+$0x0], $0xffff;
	_ =	sdelay $0x4  }
0xb9: {  	[tilespmem:v49+s13+$0x0] =	vst.idx.msk $0xffff, v1  }
0xba: {  	v1 =	vld.idx.msk [tilespmem:v3+s11+$0x0], $0xffff;
	_ =	sdelay $0x4  }
0xbb: {  	[tilespmem:v50+s13+$0x0] =	vst.idx.msk $0xffff, v1  }
0xbc: {  	v1 =	vld [tilespmem:$0x120];
	_ =	sdelay $0x7  }
0xbd: {  	v2 =	vld.idx.msk [tilespmem:v1+s9+$0x0], $0xffff;
	_ =	sdelay $0x3  }
0xbe: {  	v3 =	vld [tilespmem:$0x520]  }
0xbf: {  	[tilespmem:v51+s13+$0x0] =	vst.idx.msk $0xffff, v2  }
0xc0: {  	v1 =	vld.idx.msk [tilespmem:v1+s11+$0x0], $0xffff;
	_ =	sdelay $0x4  }
0xc1: {  	[tilespmem:v52+s13+$0x0] =	vst.idx.msk $0xffff, v1  }
0xc2: {  	v1 =	vld.idx.msk [tilespmem:v3+s9+$0x0], $0xffff;
	_ =	sdelay $0x4  }
0xc3: {  	[tilespmem:v53+s13+$0x0] =	vst.idx.msk $0xffff, v1  }
0xc4: {  	v1 =	vld.idx.msk [tilespmem:v3+s11+$0x0], $0xffff;
	_ =	sdelay $0x4  }
0xc5: {  	[tilespmem:v54+s13+$0x0] =	vst.idx.msk $0xffff, v1  }
0xc6: {  	v1 =	vld [tilespmem:$0x130];
	_ =	sdelay $0x7  }
0xc7: {  	v2 =	vld.idx.msk [tilespmem:v1+s9+$0x0], $0xffff;
	_ =	sdelay $0x3  }
0xc8: {  	v3 =	vld [tilespmem:$0x530]  }
0xc9: {  	[tilespmem:v55+s13+$0x0] =	vst.idx.msk $0xffff, v2  }
0xca: {  	v1 =	vld.idx.msk [tilespmem:v1+s11+$0x0], $0xffff;
	_ =	sdelay $0x4  }
0xcb: {  	[tilespmem:v56+s13+$0x0] =	vst.idx.msk $0xffff, v1  }
0xcc: {  	v1 =	vld.idx.msk [tilespmem:v3+s9+$0x0], $0xffff;
	_ =	sdelay $0x4  }
0xcd: {  	[tilespmem:v57+s13+$0x0] =	vst.idx.msk $0xffff, v1  }
0xce: {  	v1 =	vld.idx.msk [tilespmem:v3+s11+$0x0], $0xffff;
	_ =	sdelay $0x4  }
0xcf: {  	[tilespmem:v58+s13+$0x0] =	vst.idx.msk $0xffff, v1  }
0xd0: {  	v1 =	vld [tilespmem:$0x140];
	_ =	sdelay $0x7  }
0xd1: {  	v2 =	vld.idx.msk [tilespmem:v1+s9+$0x0], $0xffff;
	_ =	sdelay $0x3  }
0xd2: {  	v3 =	vld [tilespmem:$0x540]  }
0xd3: {  	[tilespmem:v59+s13+$0x0] =	vst.idx.msk $0xffff, v2  }
0xd4: {  	v1 =	vld.idx.msk [tilespmem:v1+s11+$0x0], $0xffff;
	_ =	sdelay $0x4  }
0xd5: {  	[tilespmem:v60+s13+$0x0] =	vst.idx.msk $0xffff, v1  }
0xd6: {  	v1 =	vld.idx.msk [tilespmem:v3+s9+$0x0], $0xffff;
	_ =	sdelay $0x4  }
0xd7: {  	[tilespmem:v61+s13+$0x0] =	vst.idx.msk $0xffff, v1  }
0xd8: {  	v1 =	vld.idx.msk [tilespmem:v3+s11+$0x0], $0xffff;
	_ =	sdelay $0x4  }
0xd9: {  	[tilespmem:v62+s13+$0x0] =	vst.idx.msk $0xffff, v1  }
0xda: {  	v1 =	vld [tilespmem:$0x180];
	_ =	sdelay $0x7  }
0xdb: {  	v2 =	vld.idx.msk [tilespmem:v1+s9+$0x0], $0xffff;
	_ =	sdelay $0x3  }
0xdc: {  	v3 =	vld [tilespmem:$0x580]  }
0xdd: {  	[tilespmem:v63+s13+$0x0] =	vst.idx.msk $0xffff, v2;
	v2 =	vld [tilespmem:$0x1FFC0];
	_ =	sdelay $0x2  }
0xde: {  	v1 =	vld.idx.msk [tilespmem:v1+s11+$0x0], $0xffff;
	_ =	sdelay $0x4  }
0xdf: {  	[tilespmem:v2+s13+$0x0] =	vst.idx.msk $0xffff, v1;
	v2 =	vld [tilespmem:$0x1FFD0];
	_ =	sdelay $0x2  }
0xe0: {  	v1 =	vld.idx.msk [tilespmem:v3+s9+$0x0], $0xffff;
	_ =	sdelay $0x4  }
0xe1: {  	[tilespmem:v2+s13+$0x0] =	vst.idx.msk $0xffff, v1;
	v2 =	vld [tilespmem:$0x1FFE0];
	_ =	sdelay $0x2  }
0xe2: {  	v1 =	vld.idx.msk [tilespmem:v3+s11+$0x0], $0xffff;
	_ =	sdelay $0x4  }
0xe3: {  	[tilespmem:v2+s13+$0x0] =	vst.idx.msk $0xffff, v1  }
0xe4: {  	v1 =	vld [tilespmem:$0x190]  }
0xe5: {  	v63 =	vmovc v62;
	v62 =	vmovc v61;
	v61 =	vmov v60;
	v60 =	vmov v59;
	v59 =	vmov v58  }
0xe6: {  	v58 =	vmovc v57;
	v57 =	vmovc v56;
	v56 =	vmov v55;
	v55 =	vmov v54;
	v54 =	vmov v53  }
0xe7: {  	v53 =	vmovc v52;
	v52 =	vmovc v51;
	v51 =	vmov v50;
	v50 =	vmov v49;
	v49 =	vmov v48  }
0xe8: {  	v48 =	vmovc v47;
	v47 =	vmovc v46;
	v46 =	vmov v45;
	v45 =	vmov v44;
	v44 =	vmov v43  }
0xe9: {  	v43 =	vmovc v42;
	v42 =	vmovc v41;
	v41 =	vmov v40;
	v40 =	vmov v39;
	v39 =	vmov v38  }
0xea: {  	v38 =	vmovc v37;
	v37 =	vmovc v36;
	v36 =	vmov v35;
	v35 =	vmov v34;
	v34 =	vmov v33  }
0xeb: {  	v33 =	vmovc v32;
	v32 =	vmovc v31;
	v31 =	vmov v30;
	v30 =	vmov v29;
	v29 =	vmov v28  }
0xec: {  	v28 =	vmovc v27;
	v27 =	vmovc v26;
	v26 =	vmov v25;
	v25 =	vmov v24;
	v3 =	vor.u32 $0x8000, v0;
	v2 =	vld.idx.msk [tilespmem:v1+s9+$0x0], $0xffff  }
0xed: {  	v24 =	vmovc v23;
	v23 =	vmovc v22;
	v22 =	vmov v21;
	v21 =	vmov v20;
	v20 =	vmov v19  }
0xee: {  	v19 =	vmovc v18;
	v18 =	vmovc v17;
	v17 =	vmov v16;
	v16 =	vmov v15;
	v15 =	vmov v14  }
0xef: {  	v14 =	vmovc v13;
	v13 =	vmovc v12;
	v12 =	vmov v11;
	v11 =	vmov v10;
	v10 =	vmov v9  }
0xf0: {  	v9 =	vmovc v8;
	v8 =	vmovc v7;
	v7 =	vmov v6;
	v6 =	vmov v5;
	v5 =	vmov v4;
	v4 =	vld [tilespmem:$0x590]  }
0xf1: {  	[tilespmem:v3+s13+$0x0] =	vst.idx.msk $0xffff, v2  }
0xf2: {  	v2 =	vor.u32 $0x8001, v0;
	v1 =	vld.idx.msk [tilespmem:v1+s11+$0x0], $0xffff;
	_ =	sdelay $0x4  }
0xf3: {  	[tilespmem:v2+s13+$0x0] =	vst.idx.msk $0xffff, v1  }
0xf4: {  	v2 =	vor.u32 $0x8002, v0;
	v1 =	vld.idx.msk [tilespmem:v4+s9+$0x0], $0xffff;
	_ =	sdelay $0x4  }
0xf5: {  	[tilespmem:v2+s13+$0x0] =	vst.idx.msk $0xffff, v1  }
0xf6: {  	v2 =	vor.u32 $0x8003, v0;
	v1 =	vld.idx.msk [tilespmem:v4+s11+$0x0], $0xffff;
	_ =	sdelay $0x4  }
0xf7: {  	[tilespmem:v2+s13+$0x0] =	vst.idx.msk $0xffff, v1  }
0xf8: {  	v1 =	vld [tilespmem:$0x1A0];
	_ =	sdelay $0x7  }
0xf9: {  	v3 =	vor.u32 $0x8800, v0;
	v2 =	vld.idx.msk [tilespmem:v1+s9+$0x0], $0xffff;
	_ =	sdelay $0x3  }
0xfa: {  	v4 =	vld [tilespmem:$0x5A0]  }
0xfb: {  	[tilespmem:v3+s13+$0x0] =	vst.idx.msk $0xffff, v2  }
0xfc: {  	v2 =	vor.u32 $0x8801, v0;
	v1 =	vld.idx.msk [tilespmem:v1+s11+$0x0], $0xffff;
	_ =	sdelay $0x4  }
0xfd: {  	[tilespmem:v2+s13+$0x0] =	vst.idx.msk $0xffff, v1  }
0xfe: {  	v2 =	vor.u32 $0x8802, v0;
	v1 =	vld.idx.msk [tilespmem:v4+s9+$0x0], $0xffff;
	_ =	sdelay $0x4  }
0xff: {  	[tilespmem:v2+s13+$0x0] =	vst.idx.msk $0xffff, v1  }
0x100: {  	v2 =	vor.u32 $0x8803, v0;
	v1 =	vld.idx.msk [tilespmem:v4+s11+$0x0], $0xffff;
	_ =	sdelay $0x4  }
0x101: {  	[tilespmem:v2+s13+$0x0] =	vst.idx.msk $0xffff, v1  }
0x102: {  	v1 =	vld [tilespmem:$0x1B0];
	_ =	sdelay $0x7  }
0x103: {  	v3 =	vor.u32 $0x9000, v0;
	v2 =	vld.idx.msk [tilespmem:v1+s9+$0x0], $0xffff;
	_ =	sdelay $0x3  }
0x104: {  	v4 =	vld [tilespmem:$0x5B0]  }
0x105: {  	[tilespmem:v3+s13+$0x0] =	vst.idx.msk $0xffff, v2  }
0x106: {  	v2 =	vor.u32 $0x9001, v0;
	v1 =	vld.idx.msk [tilespmem:v1+s11+$0x0], $0xffff;
	_ =	sdelay $0x4  }
0x107: {  	[tilespmem:v2+s13+$0x0] =	vst.idx.msk $0xffff, v1  }
0x108: {  	v2 =	vor.u32 $0x9002, v0;
	v1 =	vld.idx.msk [tilespmem:v4+s9+$0x0], $0xffff;
	_ =	sdelay $0x4  }
0x109: {  	[tilespmem:v2+s13+$0x0] =	vst.idx.msk $0xffff, v1  }
0x10a: {  	v2 =	vor.u32 $0x9003, v0;
	v1 =	vld.idx.msk [tilespmem:v4+s11+$0x0], $0xffff;
	_ =	sdelay $0x4  }
0x10b: {  	[tilespmem:v2+s13+$0x0] =	vst.idx.msk $0xffff, v1  }
0x10c: {  	v1 =	vld [tilespmem:$0x1C0];
	_ =	sdelay $0x7  }
0x10d: {  	v3 =	vor.u32 $0x9800, v0;
	v2 =	vld.idx.msk [tilespmem:v1+s9+$0x0], $0xffff;
	_ =	sdelay $0x3  }
0x10e: {  	v4 =	vld [tilespmem:$0x5C0]  }
0x10f: {  	[tilespmem:v3+s13+$0x0] =	vst.idx.msk $0xffff, v2  }
0x110: {  	v2 =	vor.u32 $0x9801, v0;
	v1 =	vld.idx.msk [tilespmem:v1+s11+$0x0], $0xffff;
	_ =	sdelay $0x4  }
0x111: {  	[tilespmem:v2+s13+$0x0] =	vst.idx.msk $0xffff, v1  }
0x112: {  	v2 =	vor.u32 $0x9802, v0;
	v1 =	vld.idx.msk [tilespmem:v4+s9+$0x0], $0xffff;
	_ =	sdelay $0x4  }
0x113: {  	[tilespmem:v2+s13+$0x0] =	vst.idx.msk $0xffff, v1  }
0x114: {  	v2 =	vor.u32 $0x9803, v0;
	v1 =	vld.idx.msk [tilespmem:v4+s11+$0x0], $0xffff;
	_ =	sdelay $0x4  }
0x115: {  	[tilespmem:v2+s13+$0x0] =	vst.idx.msk $0xffff, v1  }
0x116: {  	v1 =	vld [tilespmem:$0x200];
	_ =	sdelay $0x7  }
0x117: {  	v3 =	vor.u32 $0xA000, v0;
	v2 =	vld.idx.msk [tilespmem:v1+s9+$0x0], $0xffff;
	_ =	sdelay $0x3  }
0x118: {  	v4 =	vld [tilespmem:$0x600]  }
0x119: {  	[tilespmem:v3+s13+$0x0] =	vst.idx.msk $0xffff, v2  }
0x11a: {  	v2 =	vor.u32 $0xA001, v0;
	v1 =	vld.idx.msk [tilespmem:v1+s11+$0x0], $0xffff;
	_ =	sdelay $0x4  }
0x11b: {  	[tilespmem:v2+s13+$0x0] =	vst.idx.msk $0xffff, v1  }
0x11c: {  	v2 =	vor.u32 $0xA002, v0;
	v1 =	vld.idx.msk [tilespmem:v4+s9+$0x0], $0xffff;
	_ =	sdelay $0x4  }
0x11d: {  	[tilespmem:v2+s13+$0x0] =	vst.idx.msk $0xffff, v1  }
0x11e: {  	v2 =	vor.u32 $0xA003, v0;
	v1 =	vld.idx.msk [tilespmem:v4+s11+$0x0], $0xffff;
	_ =	sdelay $0x4  }
0x11f: {  	[tilespmem:v2+s13+$0x0] =	vst.idx.msk $0xffff, v1  }
0x120: {  	v1 =	vld [tilespmem:$0x210];
	_ =	sdelay $0x7  }
0x121: {  	v3 =	vor.u32 $0xA800, v0;
	v2 =	vld.idx.msk [tilespmem:v1+s9+$0x0], $0xffff;
	_ =	sdelay $0x3  }
0x122: {  	v4 =	vld [tilespmem:$0x610]  }
0x123: {  	[tilespmem:v3+s13+$0x0] =	vst.idx.msk $0xffff, v2  }
0x124: {  	v2 =	vor.u32 $0xA801, v0;
	v1 =	vld.idx.msk [tilespmem:v1+s11+$0x0], $0xffff;
	_ =	sdelay $0x4  }
0x125: {  	[tilespmem:v2+s13+$0x0] =	vst.idx.msk $0xffff, v1  }
0x126: {  	v2 =	vor.u32 $0xA802, v0;
	v1 =	vld.idx.msk [tilespmem:v4+s9+$0x0], $0xffff;
	_ =	sdelay $0x4  }
0x127: {  	[tilespmem:v2+s13+$0x0] =	vst.idx.msk $0xffff, v1  }
0x128: {  	v2 =	vor.u32 $0xA803, v0;
	v1 =	vld.idx.msk [tilespmem:v4+s11+$0x0], $0xffff;
	_ =	sdelay $0x4  }
0x129: {  	[tilespmem:v2+s13+$0x0] =	vst.idx.msk $0xffff, v1  }
0x12a: {  	v1 =	vld [tilespmem:$0x220];
	_ =	sdelay $0x7  }
0x12b: {  	v3 =	vor.u32 $0xB000, v0;
	v2 =	vld.idx.msk [tilespmem:v1+s9+$0x0], $0xffff;
	_ =	sdelay $0x3  }
0x12c: {  	v4 =	vld [tilespmem:$0x620]  }
0x12d: {  	[tilespmem:v3+s13+$0x0] =	vst.idx.msk $0xffff, v2  }
0x12e: {  	v2 =	vor.u32 $0xB001, v0;
	v1 =	vld.idx.msk [tilespmem:v1+s11+$0x0], $0xffff;
	_ =	sdelay $0x4  }
0x12f: {  	[tilespmem:v2+s13+$0x0] =	vst.idx.msk $0xffff, v1  }
0x130: {  	v2 =	vor.u32 $0xB002, v0;
	v1 =	vld.idx.msk [tilespmem:v4+s9+$0x0], $0xffff;
	_ =	sdelay $0x4  }
0x131: {  	[tilespmem:v2+s13+$0x0] =	vst.idx.msk $0xffff, v1  }
0x132: {  	v2 =	vor.u32 $0xB003, v0;
	v1 =	vld.idx.msk [tilespmem:v4+s11+$0x0], $0xffff;
	_ =	sdelay $0x4  }
0x133: {  	[tilespmem:v2+s13+$0x0] =	vst.idx.msk $0xffff, v1  }
0x134: {  	v1 =	vld [tilespmem:$0x230];
	_ =	sdelay $0x7  }
0x135: {  	v3 =	vor.u32 $0xB800, v0;
	v2 =	vld.idx.msk [tilespmem:v1+s9+$0x0], $0xffff;
	_ =	sdelay $0x3  }
0x136: {  	v4 =	vld [tilespmem:$0x630]  }
0x137: {  	[tilespmem:v3+s13+$0x0] =	vst.idx.msk $0xffff, v2  }
0x138: {  	v2 =	vor.u32 $0xB801, v0;
	v1 =	vld.idx.msk [tilespmem:v1+s11+$0x0], $0xffff;
	_ =	sdelay $0x4  }
0x139: {  	[tilespmem:v2+s13+$0x0] =	vst.idx.msk $0xffff, v1  }
0x13a: {  	v2 =	vor.u32 $0xB802, v0;
	v1 =	vld.idx.msk [tilespmem:v4+s9+$0x0], $0xffff;
	_ =	sdelay $0x4  }
0x13b: {  	[tilespmem:v2+s13+$0x0] =	vst.idx.msk $0xffff, v1  }
0x13c: {  	v2 =	vor.u32 $0xB803, v0;
	v1 =	vld.idx.msk [tilespmem:v4+s11+$0x0], $0xffff;
	_ =	sdelay $0x4  }
0x13d: {  	[tilespmem:v2+s13+$0x0] =	vst.idx.msk $0xffff, v1  }
0x13e: {  	v1 =	vld [tilespmem:$0x240];
	_ =	sdelay $0x7  }
0x13f: {  	v3 =	vor.u32 $0xC000, v0;
	v2 =	vld.idx.msk [tilespmem:v1+s9+$0x0], $0xffff;
	_ =	sdelay $0x3  }
0x140: {  	v4 =	vld [tilespmem:$0x640]  }
0x141: {  	[tilespmem:v3+s13+$0x0] =	vst.idx.msk $0xffff, v2  }
0x142: {  	v2 =	vor.u32 $0xC001, v0;
	v1 =	vld.idx.msk [tilespmem:v1+s11+$0x0], $0xffff;
	_ =	sdelay $0x4  }
0x143: {  	[tilespmem:v2+s13+$0x0] =	vst.idx.msk $0xffff, v1  }
0x144: {  	v2 =	vor.u32 $0xC002, v0;
	v1 =	vld.idx.msk [tilespmem:v4+s9+$0x0], $0xffff;
	_ =	sdelay $0x4  }
0x145: {  	[tilespmem:v2+s13+$0x0] =	vst.idx.msk $0xffff, v1  }
0x146: {  	v2 =	vor.u32 $0xC003, v0;
	v1 =	vld.idx.msk [tilespmem:v4+s11+$0x0], $0xffff;
	v4 =	vmovc v5;
	v5 =	vmovc v6;
	v6 =	vmov v7;
	v7 =	vmov v8  }
0x147: {  	v8 =	vmovc v9;
	v9 =	vmovc v10;
	v10 =	vmov v11;
	v11 =	vmov v12;
	v12 =	vmov v13  }
0x148: {  	v13 =	vmovc v14;
	v14 =	vmovc v15;
	v15 =	vmov v16;
	v16 =	vmov v17;
	v17 =	vmov v18  }
0x149: {  	v18 =	vmovc v19;
	v19 =	vmovc v20;
	v20 =	vmov v21;
	v21 =	vmov v22;
	v22 =	vmov v23  }
0x14a: {  	v23 =	vmovc v24;
	v24 =	vmovc v25;
	v25 =	vmov v26;
	v26 =	vmov v27;
	v27 =	vmov v28  }
0x14b: {  	v28 =	vmovc v29;
	v29 =	vmovc v30;
	v30 =	vmov v31;
	v31 =	vmov v32;
	v32 =	vmov v33  }
0x14c: {  	v33 =	vmovc v34;
	v34 =	vmovc v35;
	v35 =	vmov v36;
	v36 =	vmov v37;
	v37 =	vmov v38  }
0x14d: {  	v38 =	vmovc v39;
	v39 =	vmovc v40;
	v40 =	vmov v41;
	v41 =	vmov v42;
	v42 =	vmov v43  }
0x14e: {  	v43 =	vmovc v44;
	v44 =	vmovc v45;
	v45 =	vmov v46;
	v46 =	vmov v47;
	v47 =	vmov v48  }
0x14f: {  	v48 =	vmovc v49;
	v49 =	vmovc v50;
	v50 =	vmov v51;
	v51 =	vmov v52;
	v52 =	vmov v53  }
0x150: {  	v53 =	vmovc v54;
	v54 =	vmovc v55;
	v55 =	vmov v56;
	v56 =	vmov v57;
	v57 =	vmov v58;
	[tilespmem:v2+s13+$0x0] =	vst.idx.msk $0xffff, v1  }
0x151: {  	s21 =	sadd.s32 $0x80, s21;
	v58 =	vmovc v59;
	v59 =	vmovc v60;
	v60 =	vmov v61;
	v61 =	vmov v62;
	v62 =	vmov v63;
	v63 =	vld [tilespmem:$0x1FFF0];
	_ =	swait.ge [sflag:s14], $0xC800  }
0x152: {  	p0 =	sne.s32 s21, $0xC80;
	[sflag:s14] =	ssyncset.done $0x0  }
.Ltmp0:
0x153: {  	[sflag:s14] =	ssyncadd.s32 $0xFFFF3800;
	(pc) =	sbr.rel @p0 .LBB2_2-.Ltmp0, $4  }
0x154: {  	[hbm4b:s19+s12] =	stream.strided.scatter [tilespmem:s15], [sflag:$0x2], $0xC800, s15, s12, $0x38;
	[tilespmem:$0x1E700] =	vst v63  }
0x155: {  	_ = 	snop  }
0x156: {  	[hbm4b:s20+s4] =	stream.linear.scatter [tilespmem:s13], [sflag:$0x3], $0xC800, $0x38;
	[tilespmem:$0x1E700] =	vst v63  }
0x157: {  	s19 =	sadd.s32 $0x3200, s19;
	s20 =	sadd.s32 $0x1900, s20  }
0x158: {  	s18 =	sadd.s32 $0x1, s18  }
0x159: {  	_ =	swait.ge [sflag:s16], $0xC800;
	p0 =	sne.s32 s18, s6  }
.Ltmp1:
0x15a: {  	[sflag:s16] =	ssyncset.done $0x0;
	(pc) =	sbr.rel @p0 .LBB2_1-.Ltmp1, $4  }
0x15b: {  	[sflag:s16] =	ssyncadd.s32 $0xFFFF3800  }
0x15c: {  	_ =	swait.ge [sflag:s17], $0xC800  }
0x15d: {  	[sflag:s17] =	ssyncset.done $0x0  }
0x15e: {  	[sflag:s17] =	ssyncadd.s32 $0xFFFF3800  }
0x15f: {  	_ =	sfence.sel $0x180000  }
0x160: {  	[bflag:$0x0] =	sbarrier.arrive $0xFFFF  }
0x161: {  	p0 =	sne.s32 s2, $0x0;
	_ =	strace $0x90000047  }
0x162: {  	s0 =	sadd.s32 @!p0 $0x100000, s3;
	[bflag:$0x2] =	sbarrier.arrive $0xFFFF  }
0x163: {  	[sflag:s0] =	ssyncadd.tile.s32 @!p0 $0x1;
	_ =	shalt  }
.Lfunc_end2:
_tile_overlayer_lowered:
.L_overlay_start_2:
0x164: {  	(tag) =	ssettag $0x2  }
0x165: {  	s0 =	rddreg [dreg:$0x0];
	s2 =	stileid.u32  }
0x166: {  	s1 =	rddreg [dreg:$0x1];
	p0 =	sne.s32 s2, $0x0  }
0x167: {  	s3 =	rddreg [dreg:$0x2];
	[bflag:$0x3] =	sbarrier.arrive $0xFFFF;
	s2 =	simm.s32 @!p0 $0x1C04  }
0x168: {  	[timem:s3], [sflag:s2] =	dma.local @!p0 [hbm:s0], s1  }
0x169: {  	s0 =	simm.s32 @!p0 $0x4  }
0x16a: {  	_ =	swait.ge @!p0 [sflag:s0], s1  }
0x16b: {  	s1 =	ssub.s32 @!p0 $0x0, s1;
	[sflag:s0] =	ssyncset.done @!p0 $0x0  }
0x16c: {  	[sflag:s0] =	ssyncadd.s32 @!p0 s1  }
0x16d: {  	[bflag:$0x3] =	sbarrier.arrive $0xFFFF  }
0x16e: {  	_ =	shalt  }

</sc_bundles>
